<compile_context>
chip_gen: v7x
topology: tpu7x:2x2x1
jax: 0.10.2.dev20260603
libtpu: 0.0.44.dev20260713+nightly
codegen_flags: <defaults>
</compile_context>

<pallas_src>
import functools

import jax
import jax.numpy as jnp
from jax import lax
from jax.experimental import pallas as pl
from jax.experimental.pallas import tpu as pltpu
from jax.experimental.pallas import tpu_sc as plsc

N = 2048
K = 16
L = 16
CHUNKS = N // L
ROWS_PER_W = 256
INF = float("inf")


def _splat_lane(v, lidx):
    dnums = lax.GatherDimensionNumbers(
        offset_dims=(), collapsed_slice_dims=(0,), start_index_map=(0,)
    )
    return lax.gather(
        v, lidx[:, None], dnums, (1,),
        mode=lax.GatherScatterMode.PROMISE_IN_BOUNDS,
    )


def _any(mask):
    return plsc.all_reduce_population_count(mask)[0] > 0


def _lex_less(da, ia, db, ib):
    return (da < db) | ((da == db) & (ia < ib))


def _merge_sorted(ad, ai, bd, bi):
    rd = lax.rev(bd, (0,))
    ri = lax.rev(bi, (0,))
    take_a = _lex_less(ad, ai, rd, ri)
    md = jnp.where(take_a, ad, rd)
    mi = jnp.where(take_a, ai, ri)
    return plsc.sort_key_val(md, mi)


def _merge16(best_d, best_i, cand_d, cand_i):
    cd, ci = plsc.sort_key_val(cand_d, cand_i)
    return _merge_sorted(best_d, best_i, cd, ci)


def _knn_sc_body(pts_hbm, out_hbm, pts_v, out_v, dbuf, cand_d, cand_i):
    wid = lax.axis_index("s") * 2 + lax.axis_index("c")
    b = wid // 8
    i0 = (wid % 8) * ROWS_PER_W
    pltpu.sync_copy(pts_hbm.at[b], pts_v)

    lane = lax.iota(jnp.int32, L)
    inf_vec = jnp.full((L,), INF)
    t_lane = jnp.full((L,), 8)
    zero_i = jnp.zeros((L,), jnp.int32)

    def row_body(k, t_prev):
        arow = jnp.minimum(k, ROWS_PER_W - 1)
        a_off = (k % 2) * N
        b_off = ((k + 1) % 2) * N
        brow = jnp.maximum(k - 1, 0)

        i = i0 + arow
        qbase = (i // L) * L
        lidx = jnp.full((L,), i % L)
        xi = _splat_lane(pts_v[0, pl.ds(qbase, L)], lidx)
        yi = _splat_lane(pts_v[1, pl.ds(qbase, L)], lidx)
        zi = _splat_lane(pts_v[2, pl.ds(qbase, L)], lidx)

        fused_init = ((inf_vec, inf_vec), jnp.full((L,), -1, jnp.int32))

        @plsc.parallel_loop(0, CHUNKS, 1, unroll=8, carry=fused_init)
        def fused(c, carry):
            (m1, m2), pm1c = carry
            base = c * L
            xj = pts_v[0, pl.ds(base, L)]
            yj = pts_v[1, pl.ds(base, L)]
            zj = pts_v[2, pl.ds(base, L)]
            dx = xj - xi
            dy = yj - yi
            dz = zj - zi
            d = (dx * dx + dy * dy) + dz * dz
            dbuf[pl.ds(a_off + base, L)] = d
            m2n = jnp.minimum(m2, jnp.maximum(m1, d))
            m1n = jnp.minimum(m1, d)
            db = dbuf[pl.ds(b_off + base, L)]
            m = db <= t_prev
            pos = plsc.cumsum(m.astype(jnp.int32))
            idxs = pm1c + pos
            plsc.store_scatter(cand_d, [idxs], db, mask=m)
            plsc.store_scatter(cand_i, [idxs], lane + base, mask=m)
            pm1n = pm1c + plsc.all_reduce_population_count(m)
            return ((m1n, m2n), pm1n)

        (_m1, m2), pm1 = fused

        d_self = dbuf[pl.ds(a_off + qbase, L)]
        dbuf[pl.ds(a_off + qbase, L)] = jnp.where(lane == lidx, INF, d_self)

        sm2, _sv = plsc.sort_key_val(m2, lane)
        t_next = _splat_lane(sm2, t_lane)

        n_cand = pm1[0] + 1
        n_cand_vec = jnp.full((L,), n_cand)

        def load_c(j):
            base = j * L
            d = cand_d[pl.ds(base, L)]
            ix = cand_i[pl.ds(base, L)]
            d = jnp.where(lane + base < n_cand_vec, d, INF)
            return d, ix

        s0d, s0i = load_c(0)
        s1d, s1i = load_c(1)
        q0d, q0i = plsc.sort_key_val(s0d, s0i)
        q1d, q1i = plsc.sort_key_val(s1d, s1i)
        best_d, best_i = _merge_sorted(q0d, q0i, q1d, q1i)

        def chunk_c(j, carry):
            bd, bi = carry
            d, ix = load_c(j)
            nd, ni = _merge16(bd, bi, d, ix)
            return (nd, ni)

        best_d, best_i = lax.fori_loop(
            2, (n_cand + L - 1) // L, chunk_c, (best_d, best_i)
        )
        out_v[brow, :] = best_i
        return t_next

    neg_inf_vec = jnp.full((L,), -INF)
    lax.fori_loop(0, ROWS_PER_W + 1, row_body, neg_inf_vec)
    pltpu.sync_copy(out_v, out_hbm.at[b, pl.ds(i0, ROWS_PER_W)])


@jax.jit
def kernel(features, points):
    del features
    b, n, _ = points.shape
    pts_t = jnp.transpose(points, (0, 2, 1))
    mesh = plsc.VectorSubcoreMesh(core_axis_name="c", subcore_axis_name="s")
    topk = pl.kernel(
        _knn_sc_body,
        out_type=jax.ShapeDtypeStruct((b, n, K), jnp.int32),
        mesh=mesh,
        scratch_types=[
            pltpu.VMEM((3, N), jnp.float32),
            pltpu.VMEM((ROWS_PER_W, K), jnp.int32),
            pltpu.VMEM((2 * N,), jnp.float32),
            pltpu.VMEM((N + L,), jnp.float32),
            pltpu.VMEM((N + L,), jnp.int32),
        ],
        compiler_params=pltpu.CompilerParams(needs_layout_passes=False),
    )(pts_t)
    batch_ids = jnp.broadcast_to(
        jnp.arange(b, dtype=jnp.int32).reshape(b, 1, 1, 1), (b, n, K, 1)
    )
    return jnp.concatenate([batch_ids, topk[..., None]], axis=3)

# --- scband reference (transcript-rebuilt; emitter-appended) ---
"""Pipeline reference for scband-k-nn-8796093022437 (READ-ONLY COPY).

The authoritative reference and input builder live on the scoring server;
editing this copy changes nothing except your own understanding.
"""

import jax, jax.numpy as jnp
import numpy as np

NUM_POINTS = 2048
K = 16
BATCH = 4

def setup_inputs(seed: int = 0) -> dict:
    key = jax.random.key(seed)
    k1, k2 = jax.random.split(key)
    features = jax.random.normal(k1, (BATCH, NUM_POINTS, 64), dtype=jnp.float32)
    points = jax.random.normal(k2, (BATCH, NUM_POINTS, 3), dtype=jnp.float32)
    return {"features": features, "points": points}

def reference(features, points):
    # pairwise euclidean distance: [B, N, N]
    diff = points[:, :, None, :] - points[:, None, :, :]
    distance = jnp.linalg.norm(diff, axis=-1)
    # top (k+1) nearest (largest of negative distance), drop self-match
    _, topk_indices = jax.lax.top_k(-distance, K + 1)
    topk_indices = topk_indices[:, :, 1:]  # [B, N, K]
    batch_size = features.shape[0]
    batch_indices = jnp.arange(batch_size, dtype=jnp.int32).reshape(batch_size, 1, 1, 1)
    batch_indices = jnp.broadcast_to(batch_indices, (batch_size, NUM_POINTS, K, 1))
    indices = jnp.concatenate(
        [batch_indices, topk_indices[:, :, :, None].astype(jnp.int32)], axis=3
    )  # [B, N, K, 2]
    return indices

if __name__ == "__main__":
    import jax
    _d = setup_inputs()
    print(jax.jit(kernel)(*tuple(_d.values())))

</pallas_src>

<mosaic_0001>
#map = affine_map<(d0, d1) -> (0, 0, 0)>
module attributes {stable_mosaic.version = 14 : i64} {
  func.func @_knn_sc_body(%arg0: i32, %arg1: i32, %arg2: memref<4x3x2048xf32, #tpu.memory_space<hbm>>, %arg3: memref<4x2048x16xi32, #tpu.memory_space<hbm>>, %arg4: memref<3x2048xf32, #tpu.memory_space<vmem>>, %arg5: memref<256x16xi32, #tpu.memory_space<vmem>>, %arg6: memref<4096xf32, #tpu.memory_space<vmem>>, %arg7: memref<2064xf32, #tpu.memory_space<vmem>>, %arg8: memref<2064xi32, #tpu.memory_space<vmem>>) attributes {dimension_semantics = [#tpu.dimension_semantics<core_parallel>, #tpu.dimension_semantics<subcore_parallel>], iteration_bounds = array<i64: 2, 16>, scalar_prefetch = 0 : i64, scratch_operands = 5 : i64, tpu.core_type = #tpu.core_type<sc_vector_subcore>, window_params = [{transform_indices = #map}, {transform_indices = #map}]} {
    %mul3A = arith.constant 2 : i32
    %mul3A_0 = arith.muli %arg1, %mul3A : i32
    %add3A = arith.addi %mul3A_0, %arg0 : i32
    %jit3A = arith.constant 8 : i32
    %div3A = arith.divsi %add3A, %jit3A : i32
    %sign3A = arith.constant 0 : i32
    %sign3A_1 = arith.cmpi sgt, %add3A, %sign3A : i32
    %sign3A_2 = arith.extui %sign3A_1 : i1 to i32
    %sign3A_3 = arith.constant 0 : i32
    %sign3A_4 = arith.cmpi slt, %add3A, %sign3A_3 : i32
    %sign3A_5 = arith.extui %sign3A_4 : i1 to i32
    %sign3A_6 = arith.subi %sign3A_2, %sign3A_5 : i32
    %sign3A_7 = arith.constant 0 : i32
    %sign3A_8 = arith.cmpi sgt, %jit3A, %sign3A_7 : i32
    %sign3A_9 = arith.extui %sign3A_8 : i1 to i32
    %sign3A_10 = arith.constant 0 : i32
    %sign3A_11 = arith.cmpi slt, %jit3A, %sign3A_10 : i32
    %sign3A_12 = arith.extui %sign3A_11 : i1 to i32
    %sign3A_13 = arith.subi %sign3A_9, %sign3A_12 : i32
    %ne3A = arith.cmpi ne, %sign3A_6, %sign3A_13 : i32
    %rem3A = arith.remsi %add3A, %jit3A : i32
    %ne3A_14 = arith.constant 0 : i32
    %ne3A_15 = arith.cmpi ne, %rem3A, %ne3A_14 : i32
    %and3A = arith.andi %ne3A, %ne3A_15 : i1
    %sub3A = arith.constant 1 : i32
    %sub3A_16 = arith.subi %div3A, %sub3A : i32
    %select_n3A = arith.select %and3A, %sub3A_16, %div3A : i32
    %jit3A_17 = arith.constant 8 : i32
    %eq3A = arith.constant 0 : i32
    %eq3A_18 = arith.cmpi eq, %jit3A_17, %eq3A : i32
    %jit3A_19 = arith.constant 1 : i32
    %select_n3A_20 = arith.select %eq3A_18, %jit3A_19, %jit3A_17 : i32
    %rem3A_21 = arith.remsi %add3A, %select_n3A_20 : i32
    %ne3A_22 = arith.constant 0 : i32
    %ne3A_23 = arith.cmpi ne, %rem3A_21, %ne3A_22 : i32
    %lt3A = arith.constant 0 : i32
    %lt3A_24 = arith.cmpi slt, %rem3A_21, %lt3A : i32
    %lt3A_25 = arith.constant 0 : i32
    %lt3A_26 = arith.cmpi slt, %select_n3A_20, %lt3A_25 : i32
    %ne3A_27 = arith.xori %lt3A_24, %lt3A_26 : i1
    %and3A_28 = arith.andi %ne3A_27, %ne3A_23 : i1
    %add3A_29 = arith.addi %rem3A_21, %select_n3A_20 : i32
    %select_n3A_30 = arith.select %and3A_28, %add3A_29, %rem3A_21 : i32
    %mul3A_31 = arith.constant 256 : i32
    %mul3A_32 = arith.muli %select_n3A_30, %mul3A_31 : i32
    "tpu.region"() ({
      %run_scoped3A = tpu.sem_alloc : memref<!tpu.dma_semaphore, #tpu.memory_space<semaphore_mem>>
      %dma_start3A = arith.constant 0 : i32
      %dma_start3A_45 = arith.constant 0 : i32
      %dma_start3A_46 = tpu.memref_slice %arg2[%select_n3A, %dma_start3A, %dma_start3A_45] : memref<4x3x2048xf32, #tpu.memory_space<hbm>> -> memref<1x3x2048xf32, #tpu.memory_space<hbm>>
      %dma_start3A_47 = tpu.memref_squeeze %dma_start3A_46 : memref<1x3x2048xf32, #tpu.memory_space<hbm>> -> memref<3x2048xf32, #tpu.memory_space<hbm>>
      %dma_start3A_48 = arith.constant 0 : i32
      %dma_start3A_49 = arith.constant 0 : i32
      %dma_start3A_50 = tpu.memref_slice %arg2[%select_n3A, %dma_start3A_48, %dma_start3A_49] : memref<4x3x2048xf32, #tpu.memory_space<hbm>> -> memref<1x3x2048xf32, #tpu.memory_space<hbm>>
      %dma_start3A_51 = tpu.memref_squeeze %dma_start3A_50 : memref<1x3x2048xf32, #tpu.memory_space<hbm>> -> memref<3x2048xf32, #tpu.memory_space<hbm>>
      tpu.enqueue_dma source(%dma_start3A_51 : memref<3x2048xf32, #tpu.memory_space<hbm>>) target(%arg4 : memref<3x2048xf32, #tpu.memory_space<vmem>>) target_semaphore(%run_scoped3A : memref<!tpu.dma_semaphore, #tpu.memory_space<semaphore_mem>>)
      %dma_wait3A = arith.constant 0 : i32
      %dma_wait3A_52 = arith.constant 0 : i32
      %dma_wait3A_53 = tpu.memref_slice %arg2[%select_n3A, %dma_wait3A, %dma_wait3A_52] : memref<4x3x2048xf32, #tpu.memory_space<hbm>> -> memref<1x3x2048xf32, #tpu.memory_space<hbm>>
      %dma_wait3A_54 = tpu.memref_squeeze %dma_wait3A_53 : memref<1x3x2048xf32, #tpu.memory_space<hbm>> -> memref<3x2048xf32, #tpu.memory_space<hbm>>
      %dma_wait3A_55 = arith.constant 0 : i32
      %dma_wait3A_56 = arith.constant 0 : i32
      %dma_wait3A_57 = tpu.memref_slice %arg2[%select_n3A, %dma_wait3A_55, %dma_wait3A_56] : memref<4x3x2048xf32, #tpu.memory_space<hbm>> -> memref<1x3x2048xf32, #tpu.memory_space<hbm>>
      %dma_wait3A_58 = tpu.memref_squeeze %dma_wait3A_57 : memref<1x3x2048xf32, #tpu.memory_space<hbm>> -> memref<3x2048xf32, #tpu.memory_space<hbm>>
      tpu.wait_dma2 semaphore(%run_scoped3A : memref<!tpu.dma_semaphore, #tpu.memory_space<semaphore_mem>>) src(%dma_wait3A_58 : memref<3x2048xf32, #tpu.memory_space<hbm>>) dst(%arg4 : memref<3x2048xf32, #tpu.memory_space<vmem>>)
      tpu.yield
    }) : () -> ()
    %iota3A = tpu.iota {dimensions = array<i32: 0>} : vector<16xi32>
    %broadcast_in_dim3A = arith.constant 0x7F800000 : f32
    %broadcast_in_dim3A_33 = vector.broadcast %broadcast_in_dim3A : f32 to vector<16xf32>
    %broadcast_in_dim3A_34 = arith.constant 8 : i32
    %broadcast_in_dim3A_35 = vector.broadcast %broadcast_in_dim3A_34 : i32 to vector<16xi32>
    %broadcast_in_dim3A_36 = arith.constant 0 : i32
    %broadcast_in_dim3A_37 = vector.broadcast %broadcast_in_dim3A_36 : i32 to vector<16xi32>
    %broadcast_in_dim3A_38 = arith.constant 0xFF800000 : f32
    %broadcast_in_dim3A_39 = vector.broadcast %broadcast_in_dim3A_38 : f32 to vector<16xf32>
    %scan3A = arith.constant 0 : i32
    %scan3A_40 = arith.constant 257 : i32
    %scan3A_41 = arith.addi %scan3A, %scan3A_40 : i32
    %scan3A_42 = arith.constant 1 : i32
    %scan3A_43 = scf.for %scan3A_45 = %scan3A to %scan3A_41 step %scan3A_42 iter_args(%scan3A_46 = %broadcast_in_dim3A_39) -> (vector<16xf32>)  : i32 {
      %min3A = arith.constant 255 : i32
      %min3A_47 = arith.minsi %scan3A_45, %min3A : i32
      %jit3A_48 = arith.constant 2 : i32
      %eq3A_49 = arith.constant 0 : i32
      %eq3A_50 = arith.cmpi eq, %jit3A_48, %eq3A_49 : i32
      %jit3A_51 = arith.constant 1 : i32
      %select_n3A_52 = arith.select %eq3A_50, %jit3A_51, %jit3A_48 : i32
      %rem3A_53 = arith.remsi %scan3A_45, %select_n3A_52 : i32
      %ne3A_54 = arith.constant 0 : i32
      %ne3A_55 = arith.cmpi ne, %rem3A_53, %ne3A_54 : i32
      %lt3A_56 = arith.constant 0 : i32
      %lt3A_57 = arith.cmpi slt, %rem3A_53, %lt3A_56 : i32
      %lt3A_58 = arith.constant 0 : i32
      %lt3A_59 = arith.cmpi slt, %select_n3A_52, %lt3A_58 : i32
      %ne3A_60 = arith.xori %lt3A_57, %lt3A_59 : i1
      %and3A_61 = arith.andi %ne3A_60, %ne3A_55 : i1
      %add3A_62 = arith.addi %rem3A_53, %select_n3A_52 : i32
      %select_n3A_63 = arith.select %and3A_61, %add3A_62, %rem3A_53 : i32
      %mul3A_64 = arith.constant 2048 : i32
      %mul3A_65 = arith.muli %select_n3A_63, %mul3A_64 : i32
      %add3A_66 = arith.constant 1 : i32
      %add3A_67 = arith.addi %scan3A_45, %add3A_66 : i32
      %jit3A_68 = arith.constant 2 : i32
      %eq3A_69 = arith.constant 0 : i32
      %eq3A_70 = arith.cmpi eq, %jit3A_68, %eq3A_69 : i32
      %jit3A_71 = arith.constant 1 : i32
      %select_n3A_72 = arith.select %eq3A_70, %jit3A_71, %jit3A_68 : i32
      %rem3A_73 = arith.remsi %add3A_67, %select_n3A_72 : i32
      %ne3A_74 = arith.constant 0 : i32
      %ne3A_75 = arith.cmpi ne, %rem3A_73, %ne3A_74 : i32
      %lt3A_76 = arith.constant 0 : i32
      %lt3A_77 = arith.cmpi slt, %rem3A_73, %lt3A_76 : i32
      %lt3A_78 = arith.constant 0 : i32
      %lt3A_79 = arith.cmpi slt, %select_n3A_72, %lt3A_78 : i32
      %ne3A_80 = arith.xori %lt3A_77, %lt3A_79 : i1
      %and3A_81 = arith.andi %ne3A_80, %ne3A_75 : i1
      %add3A_82 = arith.addi %rem3A_73, %select_n3A_72 : i32
      %select_n3A_83 = arith.select %and3A_81, %add3A_82, %rem3A_73 : i32
      %mul3A_84 = arith.constant 2048 : i32
      %mul3A_85 = arith.muli %select_n3A_83, %mul3A_84 : i32
      %sub3A_86 = arith.constant 1 : i32
      %sub3A_87 = arith.subi %scan3A_45, %sub3A_86 : i32
      %max3A = arith.constant 0 : i32
      %max3A_88 = arith.maxsi %sub3A_87, %max3A : i32
      %add3A_89 = arith.addi %mul3A_32, %min3A_47 : i32
      %jit3A_90 = arith.constant 16 : i32
      %div3A_91 = arith.divsi %add3A_89, %jit3A_90 : i32
      %sign3A_92 = arith.constant 0 : i32
      %sign3A_93 = arith.cmpi sgt, %add3A_89, %sign3A_92 : i32
      %sign3A_94 = arith.extui %sign3A_93 : i1 to i32
      %sign3A_95 = arith.constant 0 : i32
      %sign3A_96 = arith.cmpi slt, %add3A_89, %sign3A_95 : i32
      %sign3A_97 = arith.extui %sign3A_96 : i1 to i32
      %sign3A_98 = arith.subi %sign3A_94, %sign3A_97 : i32
      %sign3A_99 = arith.constant 0 : i32
      %sign3A_100 = arith.cmpi sgt, %jit3A_90, %sign3A_99 : i32
      %sign3A_101 = arith.extui %sign3A_100 : i1 to i32
      %sign3A_102 = arith.constant 0 : i32
      %sign3A_103 = arith.cmpi slt, %jit3A_90, %sign3A_102 : i32
      %sign3A_104 = arith.extui %sign3A_103 : i1 to i32
      %sign3A_105 = arith.subi %sign3A_101, %sign3A_104 : i32
      %ne3A_106 = arith.cmpi ne, %sign3A_98, %sign3A_105 : i32
      %rem3A_107 = arith.remsi %add3A_89, %jit3A_90 : i32
      %ne3A_108 = arith.constant 0 : i32
      %ne3A_109 = arith.cmpi ne, %rem3A_107, %ne3A_108 : i32
      %and3A_110 = arith.andi %ne3A_106, %ne3A_109 : i1
      %sub3A_111 = arith.constant 1 : i32
      %sub3A_112 = arith.subi %div3A_91, %sub3A_111 : i32
      %select_n3A_113 = arith.select %and3A_110, %sub3A_112, %div3A_91 : i32
      %mul3A_114 = arith.constant 16 : i32
      %mul3A_115 = arith.muli %select_n3A_113, %mul3A_114 : i32
      %jit3A_116 = arith.constant 16 : i32
      %eq3A_117 = arith.constant 0 : i32
      %eq3A_118 = arith.cmpi eq, %jit3A_116, %eq3A_117 : i32
      %jit3A_119 = arith.constant 1 : i32
      %select_n3A_120 = arith.select %eq3A_118, %jit3A_119, %jit3A_116 : i32
      %rem3A_121 = arith.remsi %add3A_89, %select_n3A_120 : i32
      %ne3A_122 = arith.constant 0 : i32
      %ne3A_123 = arith.cmpi ne, %rem3A_121, %ne3A_122 : i32
      %lt3A_124 = arith.constant 0 : i32
      %lt3A_125 = arith.cmpi slt, %rem3A_121, %lt3A_124 : i32
      %lt3A_126 = arith.constant 0 : i32
      %lt3A_127 = arith.cmpi slt, %select_n3A_120, %lt3A_126 : i32
      %ne3A_128 = arith.xori %lt3A_125, %lt3A_127 : i1
      %and3A_129 = arith.andi %ne3A_128, %ne3A_123 : i1
      %add3A_130 = arith.addi %rem3A_121, %select_n3A_120 : i32
      %select_n3A_131 = arith.select %and3A_129, %add3A_130, %rem3A_121 : i32
      %broadcast_in_dim3A_132 = vector.broadcast %select_n3A_131 : i32 to vector<16xi32>
      %get3A = arith.constant 0 : i32
      %get3A_133 = arith.index_cast %get3A : i32 to index
      %get3A_134 = arith.index_cast %mul3A_115 : i32 to index
      %get3A_135 = tpu.vector_load %arg4[%get3A_133, %get3A_134] {strides = array<i32>} : memref<3x2048xf32, #tpu.memory_space<vmem>>, vector<16xf32>,
      %broadcast_in_dim3A_136 = vector.shape_cast %broadcast_in_dim3A_132 : vector<16xi32> to vector<16x1xi32>
      %gather3A = vector.shape_cast %broadcast_in_dim3A_136 : vector<16x1xi32> to vector<16xi32>
      %gather3A_137 = tpu.dynamic_gather %get3A_135[%gather3A] in [0] : vector<16xf32>, vector<16xi32> -> vector<16xf32>
      %get3A_138 = arith.constant 1 : i32
      %get3A_139 = arith.index_cast %get3A_138 : i32 to index
      %get3A_140 = arith.index_cast %mul3A_115 : i32 to index
      %get3A_141 = tpu.vector_load %arg4[%get3A_139, %get3A_140] {strides = array<i32>} : memref<3x2048xf32, #tpu.memory_space<vmem>>, vector<16xf32>,
      %broadcast_in_dim3A_142 = vector.shape_cast %broadcast_in_dim3A_132 : vector<16xi32> to vector<16x1xi32>
      %gather3A_143 = vector.shape_cast %broadcast_in_dim3A_142 : vector<16x1xi32> to vector<16xi32>
      %gather3A_144 = tpu.dynamic_gather %get3A_141[%gather3A_143] in [0] : vector<16xf32>, vector<16xi32> -> vector<16xf32>
      %get3A_145 = arith.constant 2 : i32
      %get3A_146 = arith.index_cast %get3A_145 : i32 to index
      %get3A_147 = arith.index_cast %mul3A_115 : i32 to index
      %get3A_148 = tpu.vector_load %arg4[%get3A_146, %get3A_147] {strides = array<i32>} : memref<3x2048xf32, #tpu.memory_space<vmem>>, vector<16xf32>,
      %broadcast_in_dim3A_149 = vector.shape_cast %broadcast_in_dim3A_132 : vector<16xi32> to vector<16x1xi32>
      %gather3A_150 = vector.shape_cast %broadcast_in_dim3A_149 : vector<16x1xi32> to vector<16xi32>
      %gather3A_151 = tpu.dynamic_gather %get3A_148[%gather3A_150] in [0] : vector<16xf32>, vector<16xi32> -> vector<16xf32>
      %broadcast_in_dim3A_152 = arith.constant -1 : i32
      %broadcast_in_dim3A_153 = vector.broadcast %broadcast_in_dim3A_152 : i32 to vector<16xi32>
      %parallel_loop3A = arith.constant 0 : i32
      %parallel_loop3A_154 = arith.constant 128 : i32
      %parallel_loop3A_155 = arith.constant 1 : i32
      %parallel_loop3A_156:3 = scf.for %parallel_loop3A_265 = %parallel_loop3A to %parallel_loop3A_154 step %parallel_loop3A_155 iter_args(%parallel_loop3A_266 = %broadcast_in_dim3A_33, %parallel_loop3A_267 = %broadcast_in_dim3A_33, %parallel_loop3A_268 = %broadcast_in_dim3A_153) -> (vector<16xf32>, vector<16xf32>, vector<16xi32>)  : i32 {
        %parallel_loop3A_269 = arith.constant 16 : i32
        %parallel_loop3A_270 = arith.muli %parallel_loop3A_265, %parallel_loop3A_269 : i32
        %parallel_loop3A_271 = arith.constant 0 : i32
        %parallel_loop3A_272 = arith.index_cast %parallel_loop3A_271 : i32 to index
        %parallel_loop3A_273 = arith.index_cast %parallel_loop3A_270 : i32 to index
        %parallel_loop3A_274 = tpu.vector_load %arg4[%parallel_loop3A_272, %parallel_loop3A_273] {strides = array<i32>} : memref<3x2048xf32, #tpu.memory_space<vmem>>, vector<16xf32>,
        %parallel_loop3A_275 = arith.constant 1 : i32
        %parallel_loop3A_276 = arith.index_cast %parallel_loop3A_275 : i32 to index
        %parallel_loop3A_277 = arith.index_cast %parallel_loop3A_270 : i32 to index
        %parallel_loop3A_278 = tpu.vector_load %arg4[%parallel_loop3A_276, %parallel_loop3A_277] {strides = array<i32>} : memref<3x2048xf32, #tpu.memory_space<vmem>>, vector<16xf32>,
        %parallel_loop3A_279 = arith.constant 2 : i32
        %parallel_loop3A_280 = arith.index_cast %parallel_loop3A_279 : i32 to index
        %parallel_loop3A_281 = arith.index_cast %parallel_loop3A_270 : i32 to index
        %parallel_loop3A_282 = tpu.vector_load %arg4[%parallel_loop3A_280, %parallel_loop3A_281] {strides = array<i32>} : memref<3x2048xf32, #tpu.memory_space<vmem>>, vector<16xf32>,
        %parallel_loop3A_283 = arith.subf %parallel_loop3A_274, %gather3A_137 : vector<16xf32>
        %parallel_loop3A_284 = arith.subf %parallel_loop3A_278, %gather3A_144 : vector<16xf32>
        %parallel_loop3A_285 = arith.subf %parallel_loop3A_282, %gather3A_151 : vector<16xf32>
        %parallel_loop3A_286 = arith.mulf %parallel_loop3A_283, %parallel_loop3A_283 : vector<16xf32>
        %parallel_loop3A_287 = arith.mulf %parallel_loop3A_284, %parallel_loop3A_284 : vector<16xf32>
        %parallel_loop3A_288 = arith.addf %parallel_loop3A_286, %parallel_loop3A_287 : vector<16xf32>
        %parallel_loop3A_289 = arith.mulf %parallel_loop3A_285, %parallel_loop3A_285 : vector<16xf32>
        %parallel_loop3A_290 = arith.addf %parallel_loop3A_288, %parallel_loop3A_289 : vector<16xf32>
        %parallel_loop3A_291 = arith.addi %mul3A_65, %parallel_loop3A_270 : i32
        %parallel_loop3A_292 = arith.index_cast %parallel_loop3A_291 : i32 to index
        %parallel_loop3A_293 = tpu.vector_load %arg6[%parallel_loop3A_292] {strides = array<i32>} : memref<4096xf32, #tpu.memory_space<vmem>>, vector<16xf32>,
        tpu.vector_store %arg6[%parallel_loop3A_292], %parallel_loop3A_290 {strides = array<i32>} : memref<4096xf32, #tpu.memory_space<vmem>>, vector<16xf32>,
        %parallel_loop3A_294 = arith.maximumf %parallel_loop3A_266, %parallel_loop3A_290 : vector<16xf32>
        %parallel_loop3A_295 = arith.minimumf %parallel_loop3A_267, %parallel_loop3A_294 : vector<16xf32>
        %parallel_loop3A_296 = arith.minimumf %parallel_loop3A_266, %parallel_loop3A_290 : vector<16xf32>
        %parallel_loop3A_297 = arith.addi %mul3A_85, %parallel_loop3A_270 : i32
        %parallel_loop3A_298 = arith.index_cast %parallel_loop3A_297 : i32 to index
        %parallel_loop3A_299 = tpu.vector_load %arg6[%parallel_loop3A_298] {strides = array<i32>} : memref<4096xf32, #tpu.memory_space<vmem>>, vector<16xf32>,
        %parallel_loop3A_300 = arith.cmpf ole, %parallel_loop3A_299, %scan3A_46 : vector<16xf32>
        %parallel_loop3A_301 = arith.extui %parallel_loop3A_300 : vector<16xi1> to vector<16xi32>
        %parallel_loop3A_302 = arith.constant true
        %parallel_loop3A_303 = vector.broadcast %parallel_loop3A_302 : i1 to vector<16xi1>
        %parallel_loop3A_304 = tpu.scan <sum>, %parallel_loop3A_301 masked %parallel_loop3A_303 : vector<16xi32>, vector<16xi1> -> vector<16xi32>
        %parallel_loop3A_305 = arith.addi %parallel_loop3A_268, %parallel_loop3A_304 : vector<16xi32>
        tpu.vector_store_idx %arg7[%parallel_loop3A_305], %parallel_loop3A_299 masked %parallel_loop3A_300 : memref<2064xf32, #tpu.memory_space<vmem>>[vector<16xi32>], vector<16xf32>, vector<16xi1>
        %parallel_loop3A_306 = vector.broadcast %parallel_loop3A_270 : i32 to vector<16xi32>
        %parallel_loop3A_307 = arith.addi %iota3A, %parallel_loop3A_306 : vector<16xi32>
        tpu.vector_store_idx %arg8[%parallel_loop3A_305], %parallel_loop3A_307 masked %parallel_loop3A_300 : memref<2064xi32, #tpu.memory_space<vmem>>[vector<16xi32>], vector<16xi32>, vector<16xi1>
        %parallel_loop3A_308 = tpu.all_reduce %parallel_loop3A_300 {dim = 0 : i64, kind = #tpu.reduction_kind<sum>} : vector<16xi1> -> vector<16xi32>
        %parallel_loop3A_309 = arith.addi %parallel_loop3A_268, %parallel_loop3A_308 : vector<16xi32>
        scf.yield %parallel_loop3A_296, %parallel_loop3A_295, %parallel_loop3A_309 : vector<16xf32>, vector<16xf32>, vector<16xi32>
      } {sc.loop_unroll_factor = 8 : i64, sc.parallel_access}
      %add3A_157 = arith.addi %mul3A_65, %mul3A_115 : i32
      %get3A_158 = arith.index_cast %add3A_157 : i32 to index
      %get3A_159 = tpu.vector_load %arg6[%get3A_158] {strides = array<i32>} : memref<4096xf32, #tpu.memory_space<vmem>>, vector<16xf32>,
      %eq3A_160 = arith.cmpi eq, %iota3A, %broadcast_in_dim3A_132 : vector<16xi32>
      %jit3A_161 = arith.constant 0x7F800000 : f32
      %broadcast_in_dim3A_162 = vector.broadcast %jit3A_161 : f32 to vector<16xf32>
      %select_n3A_163 = arith.select %eq3A_160, %broadcast_in_dim3A_162, %get3A_159 : vector<16xi1>, vector<16xf32>
      %add3A_164 = arith.addi %mul3A_65, %mul3A_115 : i32
      %swap3A = arith.index_cast %add3A_164 : i32 to index
      %swap3A_165 = tpu.vector_load %arg6[%swap3A] {strides = array<i32>} : memref<4096xf32, #tpu.memory_space<vmem>>, vector<16xf32>,
      tpu.vector_store %arg6[%swap3A], %select_n3A_163 {strides = array<i32>} : memref<4096xf32, #tpu.memory_space<vmem>>, vector<16xf32>,
      %masked_sort3A = arith.constant dense<true> : vector<16xi1>
      %masked_sort3A_166, %masked_sort3A_167, %masked_sort3A_168 = tpu.sort %parallel_loop3A_156#1, %iota3A masked %masked_sort3A : (vector<16xf32>, vector<16xi32>, vector<16xi1>) -> (vector<16xi1>, vector<16xf32>, vector<16xi32>)
      %broadcast_in_dim3A_169 = vector.shape_cast %broadcast_in_dim3A_35 : vector<16xi32> to vector<16x1xi32>
      %gather3A_170 = vector.shape_cast %broadcast_in_dim3A_169 : vector<16x1xi32> to vector<16xi32>
      %gather3A_171 = tpu.dynamic_gather %masked_sort3A_167[%gather3A_170] in [0] : vector<16xf32>, vector<16xi32> -> vector<16xf32>
      %slice3A = vector.extract_strided_slice %parallel_loop3A_156#2 {offsets = [0], sizes = [1], strides = [1]} : vector<16xi32> to vector<1xi32>
      %squeeze3A = vector.extract %slice3A[0] : i32 from vector<1xi32>
      %add3A_172 = arith.constant 1 : i32
      %add3A_173 = arith.addi %squeeze3A, %add3A_172 : i32
      %broadcast_in_dim3A_174 = vector.broadcast %add3A_173 : i32 to vector<16xi32>
      %get3A_175 = arith.constant 0 : index
      %get3A_176 = tpu.vector_load %arg7[%get3A_175] {strides = array<i32>} : memref<2064xf32, #tpu.memory_space<vmem>>, vector<16xf32>,
      %get3A_177 = arith.constant 0 : index
      %get3A_178 = tpu.vector_load %arg8[%get3A_177] {strides = array<i32>} : memref<2064xi32, #tpu.memory_space<vmem>>, vector<16xi32>,
      %add3A_179 = arith.constant 0 : i32
      %add3A_180 = vector.broadcast %add3A_179 : i32 to vector<16xi32>
      %add3A_181 = arith.addi %iota3A, %add3A_180 : vector<16xi32>
      %lt3A_182 = arith.cmpi slt, %add3A_181, %broadcast_in_dim3A_174 : vector<16xi32>
      %jit3A_183 = arith.constant 0x7F800000 : f32
      %broadcast_in_dim3A_184 = vector.broadcast %jit3A_183 : f32 to vector<16xf32>
      %select_n3A_185 = arith.select %lt3A_182, %get3A_176, %broadcast_in_dim3A_184 : vector<16xi1>, vector<16xf32>
      %get3A_186 = arith.constant 16 : index
      %get3A_187 = tpu.vector_load %arg7[%get3A_186] {strides = array<i32>} : memref<2064xf32, #tpu.memory_space<vmem>>, vector<16xf32>,
      %get3A_188 = arith.constant 16 : index
      %get3A_189 = tpu.vector_load %arg8[%get3A_188] {strides = array<i32>} : memref<2064xi32, #tpu.memory_space<vmem>>, vector<16xi32>,
      %add3A_190 = arith.constant 16 : i32
      %add3A_191 = vector.broadcast %add3A_190 : i32 to vector<16xi32>
      %add3A_192 = arith.addi %iota3A, %add3A_191 : vector<16xi32>
      %lt3A_193 = arith.cmpi slt, %add3A_192, %broadcast_in_dim3A_174 : vector<16xi32>
      %jit3A_194 = arith.constant 0x7F800000 : f32
      %broadcast_in_dim3A_195 = vector.broadcast %jit3A_194 : f32 to vector<16xf32>
      %select_n3A_196 = arith.select %lt3A_193, %get3A_187, %broadcast_in_dim3A_195 : vector<16xi1>, vector<16xf32>
      %masked_sort3A_197 = arith.constant dense<true> : vector<16xi1>
      %masked_sort3A_198, %masked_sort3A_199, %masked_sort3A_200 = tpu.sort %select_n3A_185, %get3A_178 masked %masked_sort3A_197 : (vector<16xf32>, vector<16xi32>, vector<16xi1>) -> (vector<16xi1>, vector<16xf32>, vector<16xi32>)
      %masked_sort3A_201 = arith.constant dense<true> : vector<16xi1>
      %masked_sort3A_202, %masked_sort3A_203, %masked_sort3A_204 = tpu.sort %select_n3A_196, %get3A_189 masked %masked_sort3A_201 : (vector<16xf32>, vector<16xi32>, vector<16xi1>) -> (vector<16xi1>, vector<16xf32>, vector<16xi32>)
      %rev3A = arith.constant 15 : i32
      %rev3A_205 = vector.broadcast %rev3A : i32 to vector<16xi32>
      %rev3A_206 = tpu.iota {dimensions = array<i32: 0>} : vector<16xi32>
      %rev3A_207 = arith.subi %rev3A_205, %rev3A_206 : vector<16xi32>
      %rev3A_208 = tpu.dynamic_gather %masked_sort3A_203[%rev3A_207] in [0] : vector<16xf32>, vector<16xi32> -> vector<16xf32>
      %rev3A_209 = arith.constant 15 : i32
      %rev3A_210 = vector.broadcast %rev3A_209 : i32 to vector<16xi32>
      %rev3A_211 = tpu.iota {dimensions = array<i32: 0>} : vector<16xi32>
      %rev3A_212 = arith.subi %rev3A_210, %rev3A_211 : vector<16xi32>
      %rev3A_213 = tpu.dynamic_gather %masked_sort3A_204[%rev3A_212] in [0] : vector<16xi32>, vector<16xi32> -> vector<16xi32>
      %lt3A_214 = arith.cmpf olt, %masked_sort3A_199, %rev3A_208 : vector<16xf32>
      %eq3A_215 = arith.cmpf oeq, %masked_sort3A_199, %rev3A_208 : vector<16xf32>
      %lt3A_216 = arith.cmpi slt, %masked_sort3A_200, %rev3A_213 : vector<16xi32>
      %and3A_217 = arith.andi %eq3A_215, %lt3A_216 : vector<16xi1>
      %or3A = arith.ori %lt3A_214, %and3A_217 : vector<16xi1>
      %select_n3A_218 = arith.select %or3A, %masked_sort3A_199, %rev3A_208 : vector<16xi1>, vector<16xf32>
      %select_n3A_219 = arith.select %or3A, %masked_sort3A_200, %rev3A_213 : vector<16xi1>, vector<16xi32>
      %masked_sort3A_220 = arith.constant dense<true> : vector<16xi1>
      %masked_sort3A_221, %masked_sort3A_222, %masked_sort3A_223 = tpu.sort %select_n3A_218, %select_n3A_219 masked %masked_sort3A_220 : (vector<16xf32>, vector<16xi32>, vector<16xi1>) -> (vector<16xi1>, vector<16xf32>, vector<16xi32>)
      %add3A_224 = arith.constant 16 : i32
      %add3A_225 = arith.addi %add3A_173, %add3A_224 : i32
      %sub3A_226 = arith.constant 1 : i32
      %sub3A_227 = arith.subi %add3A_225, %sub3A_226 : i32
      %jit3A_228 = arith.constant 16 : i32
      %div3A_229 = arith.divsi %sub3A_227, %jit3A_228 : i32
      %sign3A_230 = arith.constant 0 : i32
      %sign3A_231 = arith.cmpi sgt, %sub3A_227, %sign3A_230 : i32
      %sign3A_232 = arith.extui %sign3A_231 : i1 to i32
      %sign3A_233 = arith.constant 0 : i32
      %sign3A_234 = arith.cmpi slt, %sub3A_227, %sign3A_233 : i32
      %sign3A_235 = arith.extui %sign3A_234 : i1 to i32
      %sign3A_236 = arith.subi %sign3A_232, %sign3A_235 : i32
      %sign3A_237 = arith.constant 0 : i32
      %sign3A_238 = arith.cmpi sgt, %jit3A_228, %sign3A_237 : i32
      %sign3A_239 = arith.extui %sign3A_238 : i1 to i32
      %sign3A_240 = arith.constant 0 : i32
      %sign3A_241 = arith.cmpi slt, %jit3A_228, %sign3A_240 : i32
      %sign3A_242 = arith.extui %sign3A_241 : i1 to i32
      %sign3A_243 = arith.subi %sign3A_239, %sign3A_242 : i32
      %ne3A_244 = arith.cmpi ne, %sign3A_236, %sign3A_243 : i32
      %rem3A_245 = arith.remsi %sub3A_227, %jit3A_228 : i32
      %ne3A_246 = arith.constant 0 : i32
      %ne3A_247 = arith.cmpi ne, %rem3A_245, %ne3A_246 : i32
      %and3A_248 = arith.andi %ne3A_244, %ne3A_247 : i1
      %sub3A_249 = arith.constant 1 : i32
      %sub3A_250 = arith.subi %div3A_229, %sub3A_249 : i32
      %select_n3A_251 = arith.select %and3A_248, %sub3A_250, %div3A_229 : i32
      %while3A = arith.constant 2 : i32
      %while3A_252 = arith.subi %select_n3A_251, %while3A : i32
      %while3A_253 = arith.addi %while3A, %while3A_252 : i32
      %while3A_254 = arith.constant 1 : i32
      %while3A_255 = arith.divsi %while3A_252, %while3A_254 : i32
      %while3A_256 = arith.muli %while3A_255, %while3A_254 : i32
      %while3A_257 = arith.addi %while3A, %while3A_256 : i32
      %while3A_258 = arith.constant 1 : i32
      %while3A_259:2 = scf.for %while3A_265 = %while3A to %while3A_257 step %while3A_258 iter_args(%while3A_266 = %masked_sort3A_222, %while3A_267 = %masked_sort3A_223) -> (vector<16xf32>, vector<16xi32>)  : i32 {
        %mul3A_268 = arith.constant 16 : i32
        %mul3A_269 = arith.muli %while3A_265, %mul3A_268 : i32
        %get3A_270 = arith.index_cast %mul3A_269 : i32 to index
        %get3A_271 = tpu.vector_load %arg7[%get3A_270] {strides = array<i32>} : memref<2064xf32, #tpu.memory_space<vmem>>, vector<16xf32>,
        %get3A_272 = arith.index_cast %mul3A_269 : i32 to index
        %get3A_273 = tpu.vector_load %arg8[%get3A_272] {strides = array<i32>} : memref<2064xi32, #tpu.memory_space<vmem>>, vector<16xi32>,
        %add3A_274 = vector.broadcast %mul3A_269 : i32 to vector<16xi32>
        %add3A_275 = arith.addi %iota3A, %add3A_274 : vector<16xi32>
        %lt3A_276 = arith.cmpi slt, %add3A_275, %broadcast_in_dim3A_174 : vector<16xi32>
        %jit3A_277 = arith.constant 0x7F800000 : f32
        %broadcast_in_dim3A_278 = vector.broadcast %jit3A_277 : f32 to vector<16xf32>
        %select_n3A_279 = arith.select %lt3A_276, %get3A_271, %broadcast_in_dim3A_278 : vector<16xi1>, vector<16xf32>
        %masked_sort3A_280 = arith.constant dense<true> : vector<16xi1>
        %masked_sort3A_281, %masked_sort3A_282, %masked_sort3A_283 = tpu.sort %select_n3A_279, %get3A_273 masked %masked_sort3A_280 : (vector<16xf32>, vector<16xi32>, vector<16xi1>) -> (vector<16xi1>, vector<16xf32>, vector<16xi32>)
        %rev3A_284 = arith.constant 15 : i32
        %rev3A_285 = vector.broadcast %rev3A_284 : i32 to vector<16xi32>
        %rev3A_286 = tpu.iota {dimensions = array<i32: 0>} : vector<16xi32>
        %rev3A_287 = arith.subi %rev3A_285, %rev3A_286 : vector<16xi32>
        %rev3A_288 = tpu.dynamic_gather %masked_sort3A_282[%rev3A_287] in [0] : vector<16xf32>, vector<16xi32> -> vector<16xf32>
        %rev3A_289 = arith.constant 15 : i32
        %rev3A_290 = vector.broadcast %rev3A_289 : i32 to vector<16xi32>
        %rev3A_291 = tpu.iota {dimensions = array<i32: 0>} : vector<16xi32>
        %rev3A_292 = arith.subi %rev3A_290, %rev3A_291 : vector<16xi32>
        %rev3A_293 = tpu.dynamic_gather %masked_sort3A_283[%rev3A_292] in [0] : vector<16xi32>, vector<16xi32> -> vector<16xi32>
        %lt3A_294 = arith.cmpf olt, %while3A_266, %rev3A_288 : vector<16xf32>
        %eq3A_295 = arith.cmpf oeq, %while3A_266, %rev3A_288 : vector<16xf32>
        %lt3A_296 = arith.cmpi slt, %while3A_267, %rev3A_293 : vector<16xi32>
        %and3A_297 = arith.andi %eq3A_295, %lt3A_296 : vector<16xi1>
        %or3A_298 = arith.ori %lt3A_294, %and3A_297 : vector<16xi1>
        %select_n3A_299 = arith.select %or3A_298, %while3A_266, %rev3A_288 : vector<16xi1>, vector<16xf32>
        %select_n3A_300 = arith.select %or3A_298, %while3A_267, %rev3A_293 : vector<16xi1>, vector<16xi32>
        %masked_sort3A_301 = arith.constant dense<true> : vector<16xi1>
        %masked_sort3A_302, %masked_sort3A_303, %masked_sort3A_304 = tpu.sort %select_n3A_299, %select_n3A_300 masked %masked_sort3A_301 : (vector<16xf32>, vector<16xi32>, vector<16xi1>) -> (vector<16xi1>, vector<16xf32>, vector<16xi32>)
        scf.yield %masked_sort3A_303, %masked_sort3A_304 : vector<16xf32>, vector<16xi32>
      }
      %while3A_260 = arith.constant 1 : i32
      %while3A_261:2 = scf.for %while3A_265 = %while3A_257 to %while3A_253 step %while3A_260 iter_args(%while3A_266 = %while3A_259#0, %while3A_267 = %while3A_259#1) -> (vector<16xf32>, vector<16xi32>)  : i32 {
        %mul3A_268 = arith.constant 16 : i32
        %mul3A_269 = arith.muli %while3A_265, %mul3A_268 : i32
        %get3A_270 = arith.index_cast %mul3A_269 : i32 to index
        %get3A_271 = tpu.vector_load %arg7[%get3A_270] {strides = array<i32>} : memref<2064xf32, #tpu.memory_space<vmem>>, vector<16xf32>,
        %get3A_272 = arith.index_cast %mul3A_269 : i32 to index
        %get3A_273 = tpu.vector_load %arg8[%get3A_272] {strides = array<i32>} : memref<2064xi32, #tpu.memory_space<vmem>>, vector<16xi32>,
        %add3A_274 = vector.broadcast %mul3A_269 : i32 to vector<16xi32>
        %add3A_275 = arith.addi %iota3A, %add3A_274 : vector<16xi32>
        %lt3A_276 = arith.cmpi slt, %add3A_275, %broadcast_in_dim3A_174 : vector<16xi32>
        %jit3A_277 = arith.constant 0x7F800000 : f32
        %broadcast_in_dim3A_278 = vector.broadcast %jit3A_277 : f32 to vector<16xf32>
        %select_n3A_279 = arith.select %lt3A_276, %get3A_271, %broadcast_in_dim3A_278 : vector<16xi1>, vector<16xf32>
        %masked_sort3A_280 = arith.constant dense<true> : vector<16xi1>
        %masked_sort3A_281, %masked_sort3A_282, %masked_sort3A_283 = tpu.sort %select_n3A_279, %get3A_273 masked %masked_sort3A_280 : (vector<16xf32>, vector<16xi32>, vector<16xi1>) -> (vector<16xi1>, vector<16xf32>, vector<16xi32>)
        %rev3A_284 = arith.constant 15 : i32
        %rev3A_285 = vector.broadcast %rev3A_284 : i32 to vector<16xi32>
        %rev3A_286 = tpu.iota {dimensions = array<i32: 0>} : vector<16xi32>
        %rev3A_287 = arith.subi %rev3A_285, %rev3A_286 : vector<16xi32>
        %rev3A_288 = tpu.dynamic_gather %masked_sort3A_282[%rev3A_287] in [0] : vector<16xf32>, vector<16xi32> -> vector<16xf32>
        %rev3A_289 = arith.constant 15 : i32
        %rev3A_290 = vector.broadcast %rev3A_289 : i32 to vector<16xi32>
        %rev3A_291 = tpu.iota {dimensions = array<i32: 0>} : vector<16xi32>
        %rev3A_292 = arith.subi %rev3A_290, %rev3A_291 : vector<16xi32>
        %rev3A_293 = tpu.dynamic_gather %masked_sort3A_283[%rev3A_292] in [0] : vector<16xi32>, vector<16xi32> -> vector<16xi32>
        %lt3A_294 = arith.cmpf olt, %while3A_266, %rev3A_288 : vector<16xf32>
        %eq3A_295 = arith.cmpf oeq, %while3A_266, %rev3A_288 : vector<16xf32>
        %lt3A_296 = arith.cmpi slt, %while3A_267, %rev3A_293 : vector<16xi32>
        %and3A_297 = arith.andi %eq3A_295, %lt3A_296 : vector<16xi1>
        %or3A_298 = arith.ori %lt3A_294, %and3A_297 : vector<16xi1>
        %select_n3A_299 = arith.select %or3A_298, %while3A_266, %rev3A_288 : vector<16xi1>, vector<16xf32>
        %select_n3A_300 = arith.select %or3A_298, %while3A_267, %rev3A_293 : vector<16xi1>, vector<16xi32>
        %masked_sort3A_301 = arith.constant dense<true> : vector<16xi1>
        %masked_sort3A_302, %masked_sort3A_303, %masked_sort3A_304 = tpu.sort %select_n3A_299, %select_n3A_300 masked %masked_sort3A_301 : (vector<16xf32>, vector<16xi32>, vector<16xi1>) -> (vector<16xi1>, vector<16xf32>, vector<16xi32>)
        scf.yield %masked_sort3A_303, %masked_sort3A_304 : vector<16xf32>, vector<16xi32>
      }
      %swap3A_262 = arith.index_cast %max3A_88 : i32 to index
      %swap3A_263 = arith.constant 0 : index
      %swap3A_264 = tpu.vector_load %arg5[%swap3A_262, %swap3A_263] {strides = array<i32>} : memref<256x16xi32, #tpu.memory_space<vmem>>, vector<16xi32>,
      tpu.vector_store %arg5[%swap3A_262, %swap3A_263], %while3A_261#1 {strides = array<i32>} : memref<256x16xi32, #tpu.memory_space<vmem>>, vector<16xi32>,
      scf.yield %gather3A_171 : vector<16xf32>
    }
    %scan3A_44 = arith.constant 257 : i32
    "tpu.region"() ({
      %run_scoped3A = tpu.sem_alloc : memref<!tpu.dma_semaphore, #tpu.memory_space<semaphore_mem>>
      %dma_start3A = arith.constant 0 : i32
      %dma_start3A_45 = tpu.memref_slice %arg3[%select_n3A, %mul3A_32, %dma_start3A] : memref<4x2048x16xi32, #tpu.memory_space<hbm>> -> memref<1x256x16xi32, #tpu.memory_space<hbm>>
      %dma_start3A_46 = tpu.memref_squeeze %dma_start3A_45 : memref<1x256x16xi32, #tpu.memory_space<hbm>> -> memref<256x16xi32, #tpu.memory_space<hbm>>
      %dma_start3A_47 = arith.constant 0 : i32
      %dma_start3A_48 = tpu.memref_slice %arg3[%select_n3A, %mul3A_32, %dma_start3A_47] : memref<4x2048x16xi32, #tpu.memory_space<hbm>> -> memref<1x256x16xi32, #tpu.memory_space<hbm>>
      %dma_start3A_49 = tpu.memref_squeeze %dma_start3A_48 : memref<1x256x16xi32, #tpu.memory_space<hbm>> -> memref<256x16xi32, #tpu.memory_space<hbm>>
      tpu.enqueue_dma source(%arg5 : memref<256x16xi32, #tpu.memory_space<vmem>>) target(%dma_start3A_49 : memref<256x16xi32, #tpu.memory_space<hbm>>) target_semaphore(%run_scoped3A : memref<!tpu.dma_semaphore, #tpu.memory_space<semaphore_mem>>)
      %dma_wait3A = arith.constant 0 : i32
      %dma_wait3A_50 = tpu.memref_slice %arg3[%select_n3A, %mul3A_32, %dma_wait3A] : memref<4x2048x16xi32, #tpu.memory_space<hbm>> -> memref<1x256x16xi32, #tpu.memory_space<hbm>>
      %dma_wait3A_51 = tpu.memref_squeeze %dma_wait3A_50 : memref<1x256x16xi32, #tpu.memory_space<hbm>> -> memref<256x16xi32, #tpu.memory_space<hbm>>
      %dma_wait3A_52 = arith.constant 0 : i32
      %dma_wait3A_53 = tpu.memref_slice %arg3[%select_n3A, %mul3A_32, %dma_wait3A_52] : memref<4x2048x16xi32, #tpu.memory_space<hbm>> -> memref<1x256x16xi32, #tpu.memory_space<hbm>>
      %dma_wait3A_54 = tpu.memref_squeeze %dma_wait3A_53 : memref<1x256x16xi32, #tpu.memory_space<hbm>> -> memref<256x16xi32, #tpu.memory_space<hbm>>
      tpu.wait_dma2 semaphore(%run_scoped3A : memref<!tpu.dma_semaphore, #tpu.memory_space<semaphore_mem>>) src(%arg5 : memref<256x16xi32, #tpu.memory_space<vmem>>) dst(%dma_wait3A_54 : memref<256x16xi32, #tpu.memory_space<hbm>>)
      tpu.yield
    }) : () -> ()
    return
  }
}

</mosaic_0001>

<sc_bundles>
// kernel: kernel.3.cloned.1.call-start
scs
__scs_entry_jumppad:
0x0: {  	(pc) =	sbr.rel $0x88, $3  }
0x1: {  	(tag) =	ssettag $0x0;
	lr =	simm.s32 $0x1  }
0x2: {  	[smem:$0x3FA0] =	sst lr;
	_ =	strace $0xD0000000  }
0x3: {  	_ = 	snop  }
0x4: {  	_ = 	snop  }
0x5: {  	_ = 	snop  }
0x6: {  	_ = 	snop  }
0x7: {  	_ = 	snop  }
__scs_overlays_trampoline_lowered:
0x8: {  	[smem:$0x3FAF] =	sst s0  }
0x9: {  	[smem:$0x3FB0] =	sst s1  }
0xa: {  	[smem:$0x3FB1] =	sst s2  }
0xb: {  	[smem:$0x3FB2] =	sst s3  }
0xc: {  	[smem:$0x3FB3] =	sst s4  }
0xd: {  	[smem:$0x3FB4] =	sst s5  }
0xe: {  	[smem:$0x3FB5] =	sst s6  }
0xf: {  	[smem:$0x3FB6] =	sst s7  }
0x10: {  	[smem:$0x3FB7] =	sst s8  }
0x11: {  	[smem:$0x3FB8] =	sst s9;
	s0 =	simm.s32 @!p0 $0x0  }
0x12: {  	s1 =	sld [smem:$0x3F9E];
	s0 =	simm.s32 @p0 $0x1  }
0x13: {  	[smem:$0x3FB9] =	sst s0;
	s0 =	simm.s32 @!p1 $0x0  }
0x14: {  	s2 =	sld [smem:$0x3F9D];
	s0 =	simm.s32 @p1 $0x1  }
0x15: {  	[smem:$0x3FBA] =	sst s0;
	s0 =	simm.s32 @!p2 $0x0  }
0x16: {  	s3 =	sld [smem:$0x3FDB];
	s0 =	simm.s32 @p2 $0x1  }
0x17: {  	s4 =	simm.s32 $0x1BF5;
	[smem:$0x3FBC] =	sst s0  }
0x18: {  	s0 =	sld [smem:$0x3F9F];
	_ =	swait.ge [sflag:s4], $0x0  }
0x19: {  	s7 =	sld [smem:$0x3FA0]  }
0x1a: {  	s8 =	sadd.s32 $0xFFFFE003, lr  }
0x1b: {  	s9 =	sadd.s32 $0xFFFFFEF7, lr;
	s5 =	simm.s32 $0xFFFFFFFF;
	p2 =	slt.u32 s8, $0xFFFFF086  }
0x1c: {  	p1 =	slt.u32 s9, $0xF7A;
	s5 =	simm.s32 @!p2 $0x0  }
0x1d: {  	s5 =	simm.s32 @p1 $0x1;
	p0 =	seq.s32 s7, s2  }
0x1e: {  	s7 =	smul.u32 @!p0 $0xF7A, s2;
	p2 =	seq.s32 @!p0 s5, $0x0  }
0x1f: {  	s9 =	smul.u32 $0xF7A, s1;
	s8 =	simm.s32 @!p0 $0x1BF5;
	p2 =	por !p2, p0  }
0x20: {  	[sflag:s8] =	ssyncset.s32 @!p0 $0xFFFFF086;
	s6 =	sadd.s32 @!p0 s3, s7;
	s7 =	simm.s32 @!p0 $0x108  }
0x21: {  	s3 =	sadd.s32 s3, s9;
	s6 =	sadd.s32 @!p0 $0x88, s6;
	s7 =	simm.s32 @p2 $0x1082  }
0x22: {  	[simem:s7], [sflag:s8] =	dma.local @!p0 [hbm:s6], $0xF7A  }
0x23: {  	s9 =	sor.u32 $0xD0000000, s2;
	s6 =	simm.s32 $0x108;
	_ =	swait.ge @!p0 [sflag:s8], $0x0  }
0x24: {  	s3 =	sadd.s32 $0x88, s3;
	s6 =	simm.s32 @!p1 $0x1082;
	[sflag:s4] =	ssyncset.s32 $0xFFFFF086  }
0x25: {  	[simem:s6], [sflag:s4] =	dma.local [hbm:s3], $0xF7A  }
0x26: {  	[smem:$0x3FA0] =	sst s1;
	(tag) =	ssettag s2;
	_ =	strace s9  }
0x27: {  	s1 =	sld [smem:$0x3FB0]  }
0x28: {  	s2 =	sld [smem:$0x3FB1]  }
0x29: {  	s4 =	sld [smem:$0x3FB3]  }
0x2a: {  	p0 =	seq.s32 s5, $0x0;
	s5 =	sld [smem:$0x3FB4]  }
0x2b: {  	s6 =	sld [smem:$0x3FB5]  }
0x2c: {  	s7 =	sld [smem:$0x3FB6]  }
0x2d: {  	s3 =	simm.s32 $0x108;
	s8 =	sld [smem:$0x3FB7]  }
0x2e: {  	s3 =	simm.s32 @!p0 $0x1082;
	s9 =	sld [smem:$0x3FB8]  }
0x2f: {  	lr =	sadd.s32 s0, s3;
	s0 =	sld [smem:$0x3FAF]  }
0x30: {  	s3 =	sld [smem:$0x3FB2]  }
0x31: {  	[smem:$0x3FBB] =	sst s10  }
0x32: {  	s10 =	sld [smem:$0x3FB9];
	_ =	sdelay $0x3  }
0x33: {  	p0 =	seq.s32 s10, $0x1;
	s10 =	sld [smem:$0x3FBB];
	_ =	sdelay $0x3  }
0x34: {  	[smem:$0x3FBB] =	sst s10  }
0x35: {  	s10 =	sld [smem:$0x3FBA];
	_ =	sdelay $0x3  }
0x36: {  	p1 =	seq.s32 s10, $0x1;
	s10 =	sld [smem:$0x3FBB];
	_ =	sdelay $0x3  }
0x37: {  	[smem:$0x3FBB] =	sst s10  }
0x38: {  	s10 =	sld [smem:$0x3FBC]  }
0x39: {  	_ = 	snop;
	(pc) =	sbr.ind lr, $3  }
0x3a: {  	_ = 	snop  }
0x3b: {  	_ = 	snop  }
0x3c: {  	p2 =	seq.s32 s10, $0x1;
	s10 =	sld [smem:$0x3FBB]  }
0x3d: {  	_ =	shalt  }
0x3e: {  	_ =	shalt  }
0x3f: {  	_ =	shalt  }
0x40: {  	_ =	shalt  }
0x41: {  	_ =	shalt  }
0x42: {  	_ =	shalt  }
0x43: {  	_ =	shalt  }
0x44: {  	_ =	shalt  }
0x45: {  	_ =	shalt  }
0x46: {  	_ =	shalt  }
0x47: {  	_ =	shalt  }
0x48: {  	_ =	shalt  }
0x49: {  	_ =	shalt  }
0x4a: {  	_ =	shalt  }
0x4b: {  	_ =	shalt  }
0x4c: {  	_ =	shalt  }
0x4d: {  	_ =	shalt  }
0x4e: {  	_ =	shalt  }
0x4f: {  	_ =	shalt  }
0x50: {  	_ =	shalt  }
0x51: {  	_ =	shalt  }
0x52: {  	_ =	shalt  }
0x53: {  	_ =	shalt  }
0x54: {  	_ =	shalt  }
0x55: {  	_ =	shalt  }
0x56: {  	_ =	shalt  }
0x57: {  	_ =	shalt  }
0x58: {  	_ =	shalt  }
0x59: {  	_ =	shalt  }
0x5a: {  	_ =	shalt  }
0x5b: {  	_ =	shalt  }
0x5c: {  	_ =	shalt  }
0x5d: {  	_ =	shalt  }
0x5e: {  	_ =	shalt  }
0x5f: {  	_ =	shalt  }
0x60: {  	_ =	shalt  }
0x61: {  	_ =	shalt  }
0x62: {  	_ =	shalt  }
0x63: {  	_ =	shalt  }
0x64: {  	_ =	shalt  }
0x65: {  	_ =	shalt  }
0x66: {  	_ =	shalt  }
0x67: {  	_ =	shalt  }
0x68: {  	_ =	shalt  }
0x69: {  	_ =	shalt  }
0x6a: {  	_ =	shalt  }
0x6b: {  	_ =	shalt  }
0x6c: {  	_ =	shalt  }
0x6d: {  	_ =	shalt  }
0x6e: {  	_ =	shalt  }
0x6f: {  	_ =	shalt  }
0x70: {  	_ =	shalt  }
0x71: {  	_ =	shalt  }
0x72: {  	_ =	shalt  }
0x73: {  	_ =	shalt  }
0x74: {  	_ =	shalt  }
0x75: {  	_ =	shalt  }
0x76: {  	_ =	shalt  }
0x77: {  	_ =	shalt  }
0x78: {  	_ =	shalt  }
0x79: {  	_ =	shalt  }
0x7a: {  	_ =	shalt  }
0x7b: {  	_ =	shalt  }
0x7c: {  	_ =	shalt  }
0x7d: {  	_ =	shalt  }
0x7e: {  	_ =	shalt  }
0x7f: {  	_ =	shalt  }
0x80: {  	_ =	shalt  }
0x81: {  	_ =	shalt  }
0x82: {  	_ =	shalt  }
0x83: {  	_ =	shalt  }
0x84: {  	_ =	shalt  }
0x85: {  	_ =	shalt  }
0x86: {  	_ =	shalt  }
0x87: {  	_ =	shalt  }
.Lfunc_end0:
.L_simem_size_0:
called_computation_lowered:
.L_overlay_start_0:
0x88: {  	s2 =	sld [smem:$0x3FD9]  }
0x89: {  	s3 =	sld [smem:$0x3FFE];
	_ =	sdelay $0x1  }
0x8a: {  	s1 =	srdreg.scid  }
0x8b: {  	s0 =	sand.u32 $0x1, s1  }
0x8c: {  	s17 =	sshll.u32 s0, $0xA;
	s2 =	sadd.s32 s3, s2  }
0x8d: {  	s2 =	sadd.s32 s2, s17  }
0x8e: {  	[smem:$0x3FC7] =	sst s2  }
0x8f: {  	_ = 	snop  }
0x90: {  	s2 =	sld [smem:$0x3FD0];
	(tm) =	ssettm $0x1  }
0x91: {  	s18 =	sld [smem:$0x3FFB];
	_ =	sdelay $0x3  }
0x92: {  	_ =	strace s18  }
0x93: {  	s3 =	sld [smem:$0x3FFC];
	_ =	sdelay $0x3  }
0x94: {  	_ =	strace s3  }
0x95: {  	s3 =	sld [smem:$0x3FFD];
	_ =	sdelay $0x3  }
0x96: {  	_ =	strace s3  }
0x97: {  	_ =	strace $0x8FFFFFFF  }
0x98: {  	s19 =	sld [smem:$0x3FDB];
	_ =	sdelay $0x1  }
0x99: {  	s4 =	simm.s32 $_scs_section_size  }
0x9a: {  	s5 =	simm.s32 $_size__tile_overlayer_lowered;
	s6 =	simm.s32 $_tile_overlayer_lowered  }
0x9b: {  	s22 =	simm.s32 $0x1BFF;
	s21 =	sshll.u32 s6, $0x1;
	s3 =	sadd.s32 s4, s19  }
0x9c: {  	s7 =	simm.s32 $0x0;
	s20 =	sshll.u32 s5, $0x1;
	s5 =	sadd.s32 s21, s3  }
0x9d: {  	[timem:s7], [sflag:s22] =	dma.local [hbm:s5], s20  }
0x9e: {  	_ =	swait.ge [sflag:s22], s20  }
0x9f: {  	s4 =	ssub.s32 $0x0, s20;
	[sflag:s22] =	ssyncset.done $0x0  }
0xa0: {  	[sflag:s22] =	ssyncadd.s32 s4;
	_ =	sdelay $0x1  }
0xa1: {  	s23 =	simm.s32 $0x1B8B  }
0xa2: {  	_ =	swait.ge [sflag:s23], $0x1  }
0xa3: {  	[sflag:s23] =	ssyncset.done $0x0  }
0xa4: {  	s25 =	simm.s32 $0x1B8E;
	s24 =	sld [smem:$0x3FFE];
	[sflag:s23] =	ssyncadd.s32 $0xFFFFFFFF  }
0xa5: {  	s26 =	simm.s32 $execute0_lowered;
	[smem:$0x3FD2] =	sst s25  }
0xa6: {  	s5 =	sshll.u32 s26, $0x1;
	_ =	strace $0x80000046;
	[dreg:$0x1] =	wrdreg $0xFFFFFFFF  }
0xa7: {  	s28 =	simm.s32 $_size_execute0_lowered;
	s3 =	sadd.s32 s3, s5;
	[dreg:$0x0] =	wrdreg $0x0  }
0xa8: {  	s5 =	sshll.u32 s28, $0x1;
	[dreg:$0x2] =	wrdreg s3  }
0xa9: {  	[dreg:$0x3] =	wrdreg s5  }
0xaa: {  	[dreg:$0x4] =	wrdreg $0xC0  }
0xab: {  	_ =	task [dreg:s7], $0x5FFFF  }
0xac: {  	[dreg:$0x1] =	wrdreg $0xFFFFFFFF  }
0xad: {  	[dreg:$0x0] =	wrdreg $0x60  }
0xae: {  	[dreg:$0x2] =	wrdreg s2  }
0xaf: {  	[dreg:$0x3] =	wrdreg s24  }
0xb0: {  	[dreg:$0x4] =	wrdreg $0x9  }
0xb1: {  	_ =	task.clear_ibuf [dreg:s7], $0x5FFFF;
	_ =	strace $0x90000046  }
0xb2: {  	s29 =	simm.s32 $0x9;
	_ =	strace $0x80000048  }
0xb3: {  	_ =	swait.ge [sflag:s29], $0x1  }
0xb4: {  	[sflag:s29] =	ssyncadd.s32 $0xFFFFFFFF  }
0xb5: {  	_ =	strace $0x90000048  }
0xb6: {  	_ =	sfence  }
0xb7: {  	s30 =	sld [smem:$0x0];
	_ =	sdelay $0x2  }
0xb8: {  	s31 =	sshll.u32 s1, $0xD;
	s1 =	sshrl.u32 s1, $0x2  }
0xb9: {  	s3 =	sand.u32 $0x4000, s31;
	s1 =	sadd.s32 s1, s30  }
0xba: {  	s0 =	sor.u32 s3, s0;
	s1 =	sshll.u32 s1, $0x11  }
0xbb: {  	s0 =	sor.u32 s1, s0  }
0xbc: {  	s0 =	sadd.s32 $0x8F2B, s0  }
0xbd: {  	[sflag:s0] =	ssyncadd.remote.s32 $0x1  }
0xbe: {  	_ =	sfence.sel $0xFFFF  }
0xbf: {  	[dreg:$0x0] =	wrdreg $0xFFFFFFFF;
	(pc) =	sbr.abs _section_cstart, $3  }
0xc0: {  	[dreg:$0x1] =	wrdreg $0xFFFFFFFF  }
0xc1: {  	_ =	task.clear_ibuf [dreg:s7], $0x2FFFF;
	_ =	strace $0x9FFFFFFF  }
0xc2: {  	(tm) =	ssettm $0x7FFFFFFF  }
0xc3: {  	_ =	shalt  }
tec
execute0_lowered:
.L_overlay_start_1:
0x0: {  	(tag) =	ssettag $0x1  }
0x1: {  	s4 =	rddreg [dreg:$0x0]  }
0x2: {  	s3 =	rddreg [dreg:$0x1]  }
0x3: {  	s0 =	rddreg [dreg:$0x2];
	s2 =	simm.s32 $0x0  }
0x4: {  	s1 =	stileid.u32;
	s5 =	srdreg.scid;
	s10 =	simm.s32 $0x2000  }
0x5: {  	s11 =	simm.s32 $0x0;
	[smem:$0x7FF] =	sst s2;
	s6 =	sshll.u32 s1, $0x1  }
0x6: {  	s7 =	sshrl.u32 s1, $0x2;
	s5 =	sand.u32 $0x1, s5;
	_ =	strace $0x80000047  }
0x7: {  	s6 =	sand.u32 $0x6, s6;
	s8 =	sshll.u32 s7, $0xF;
	s9 =	ssub.s32 $0x2, s5  }
.Ltmp0:
0x8: {  	s7 =	sshll.u32 s7, $0xA;
	s5 =	sor.u32 s5, s6;
	(pc) =	sbr.rel .LBB2_1-.Ltmp0, $4  }
0x9: {  	s3 =	sadd.s32 s8, s3;
	s30 =	sshrl.u32 s9, $0x1;
	s4 =	sadd.s32 s4, s7  }
0xa: {  	s7 =	simm.s32 $0x1;
	s31 =	sshll.u32 s5, $0xC;
	s6 =	ssub.s32 s9, s30  }
0xb: {  	s9 =	simm.s32 $0xB880;
	s8 =	sadd.s32 s31, s3;
	s3 =	sshll.u32 s5, $0x8  }
0xc: {  	v0 =	vimm.s32 $0x0;
	v1 =	vlaneseq.u32;
	v2 =	vimm.s32 $0x8;
	s6 =	smax.u32 s6, $0x1;
	s5 =	sadd.s32 $0x400, s8;
	s8 =	simm.s32 $0xB000  }
.LBB2_13:
0xd: {  	s11 =	sadd.s32 $0x1, s11  }
0xe: {  	p0 =	sne.s32 s11, s6  }
.Ltmp1:
0xf: {  	_ = 	snop;
	(pc) =	sbr.rel @!p0 .LBB2_14-.Ltmp1, $4  }
0x10: {  	[hbm4b:s5+s2] =	stream.linear.scatter [tilespmem:s10], [sflag:$0x1], $0x8000, $0x38;
	[tilespmem:$0xC100] =	vst v63  }
0x11: {  	_ =	swait.ge [sflag:s7], $0x8000  }
0x12: {  	[sflag:s7] =	ssyncset.done $0x0  }
0x13: {  	[sflag:s7] =	ssyncadd.s32 $0xFFFF8000  }
.LBB2_1:
.Ltmp2:
0x14: {  	(pc) =	sbr.rel .LBB2_2-.Ltmp2, $4  }
0x15: {  	[tilespmem:s2], [sflag:$0x1] =	stream.linear.gather [hbm4b:s4+s2], $0x2000, $0x38;
	[tilespmem:$0xC100] =	vst v63  }
0x16: {  	_ =	swait.ge [sflag:s7], $0x2000  }
0x17: {  	p0 =	por $0x1, $0x1;
	[sflag:s7] =	ssyncset.done $0x0  }
0x18: {  	v4 =	vimm.f32 $-Inf;
	p1 =	por $0x0, $0x0;
	s15 =	simm.s32 $0x0;
	[sflag:s7] =	ssyncadd.s32 $0xFFFFE000  }
.LBB2_6:
0x19: {  	s14 =	simm.s32 $0x20  }
.LBB2_11:
0x1a: {  	v9, v10, _ =	vpop @p2 (xrf1)  }
0x1b: {  	v11 =	vld [tilespmem:s16+$0x0];
	s14 =	sadd.s32 @p2 $0x10, s14;
	v9 =	vperm.xlane @p2 v9, v5;
	v10 =	vperm.xlane @p2 v10, v5;
	v12, v13, _ =	vpop @p3 (xrf1)  }
0x1c: {  	s13 =	smov.u32 @p2 s14;
	v12 =	vpsel p3, v12, v7;
	v13 =	vpsel p3, v13, v6  }
0x1d: {  	v14 =	vor.u32 s13, v1;
	vm0 =	veq.f32 @p2 v12, v9;
	vm1 =	vlt.s32 @p2 v13, v10  }
0x1e: {  	vm2 =	vlt.s32 v14, v4;
	vm0 =	vmand @p2 vm0, vm1;
	vm1 =	vlt.f32 @p2 v12, v9  }
0x1f: {  	v4 =	vnsel vm2, $0x7F800000, v8;
	vm0 =	vmor @p2 vm1, vm0  }
0x20: {  	(xrf1) =	vsort.ascd.msk.f32 $0xffff, v4, v11;
	v4 =	vsel @p2 vm0, v12, v9;
	v8 =	vsel @p2 vm0, v13, v10  }
0x21: {  	(xrf1) =	vsort.ascd.msk.f32 @p2 $0xffff, v4, v8;
	_ =	sdelay $0xc  }
0x22: {  	v4, v8, _ =	vpop (xrf1)  }
0x23: {  	v4 =	vperm.xlane v4, v5;
	v5 =	vperm.xlane v8, v5;
	v8, v9, _ =	vpop @p2 (xrf1)  }
0x24: {  	v7 =	vpsel p2, v8, v7;
	v6 =	vpsel p2, v9, v6  }
0x25: {  	vm13 =	veq.f32 v7, v4;
	vm14 =	vlt.s32 v6, v5  }
0x26: {  	vm15 =	vlt.f32 v7, v4;
	vm0 =	vmand vm13, vm14  }
0x27: {  	vm0 =	vmor vm15, vm0  }
0x28: {  	v4 =	vsel vm0, v7, v4;
	v5 =	vsel vm0, v6, v5  }
0x29: {  	(xrf1) =	vsort.ascd.msk.f32 $0xffff, v4, v5;
	_ =	sdelay $0xd  }
0x2a: {  	v4, v6, _ =	vpop (xrf1)  }
.LBB2_12:
0x2b: {  	p2 =	sne.s32 s15, $0x101  }
.Ltmp3:
0x2c: {  	_ = 	snop;
	(pc) =	sbr.rel @!p2 .LBB2_13-.Ltmp3, $4  }
0x2d: {  	s12 =	smax.u32 s12, $0x1  }
0x2e: {  	s12 =	sshll.u32 s12, $0x7  }
0x2f: {  	s12 =	sand.u32 $0x3FFFFF80, s12  }
0x30: {  	v4 =	vperm.xlane v3, v2;
	p0 =	por !p0, !p0;
	p1 =	por !p1, !p1;
	[tilespmem:s12+$0x1F80] =	vst v6  }
.LBB2_2:
0x31: {  	s13 =	smin.u32 s15, $0xFF;
	s23 =	simm.s32 $0xC0  }
0x32: {  	s12 =	smov.u32 s15;
	s14 =	sor.u32 s3, s13;
	s15 =	sand.u32 $0xF, s13;
	v8 =	vld [tilespmem:s23+$0xFFFFFFC0]  }
0x33: {  	v10 =	vld [tilespmem:s23+$0xB0];
	p2 =	seq.s32 s14, $0x0;
	p3 =	sne.s32 s15, $0x0  }
0x34: {  	v11 =	vld [tilespmem:s23+$0x30];
	p2 =	por !p2, !p3  }
0x35: {  	s13 =	simm.s32 $0x1;
	v12 =	vld [tilespmem:s23+$0xFFFFFFB0];
	p2 =	por !p2, !p2  }
0x36: {  	v13 =	vld [tilespmem:s23+$0xA0];
	s14 =	sshrl.u32 s14, $0x4;
	s13 =	simm.s32 @!p2 $0x0  }
0x37: {  	v14 =	vld [tilespmem:s23+$0x20];
	s13 =	ssub.s32 s14, s13  }
0x38: {  	v15 =	vld [tilespmem:s23+$0x90];
	s14 =	sshll.u32 s13, $0x4;
	s16 =	sshll.u32 s13, $0x6  }
0x39: {  	v16 =	vld [tilespmem:s23+$0xFFFFFFA0];
	s13 =	sand.u32 $0x70, s14;
	s16 =	sand.u32 $0xFFFFFE00, s16  }
0x3a: {  	v17 =	vld [tilespmem:s23+$0x40];
	s16 =	sor.u32 s13, s16  }
0x3b: {  	v5 =	vld [tilespmem:s16+$0x80]  }
0x3c: {  	v6 =	vld [tilespmem:s16+$0x100]  }
0x3d: {  	v7 =	vld [tilespmem:s16+$0x0]  }
0x3e: {  	v18 =	vld [tilespmem:s23+$0x10]  }
0x3f: {  	v19 =	vld [tilespmem:s23+$0x70];
	v3 =	vmov s15  }
0x40: {  	v20 =	vld [tilespmem:s23+$0x50];
	v5 =	vperm.xlane v5, v3  }
0x41: {  	v21 =	vld [tilespmem:s23+$0x80];
	v6 =	vperm.xlane v6, v3  }
0x42: {  	v24 =	vld [tilespmem:s23+$0xFFFFFF50];
	v7 =	vperm.xlane v7, v3;
	v8 =	vsub.f32 v8, v5  }
0x43: {  	v25 =	vld [tilespmem:s23+$0xFFFFFFE0];
	v10 =	vsub.f32 v10, v6;
	v11 =	vsub.f32 v11, v5  }
0x44: {  	v26 =	vld [tilespmem:s23+$0xFFFFFF40];
	v14 =	vsub.f32 v14, v5;
	v16 =	vsub.f32 v16, v7  }
0x45: {  	v27 =	vld [tilespmem:s23+$0xFFFFFFD0];
	v13 =	vsub.f32 v13, v6;
	v12 =	vsub.f32 v12, v7  }
0x46: {  	v28 =	vld [tilespmem:s23+$0xFFFFFF70];
	v17 =	vsub.f32 v17, v6;
	v18 =	vsub.f32 v18, v5  }
0x47: {  	v23 =	vld [tilespmem:s23+$0x0];
	v20 =	vsub.f32 v20, v6;
	v19 =	vsub.f32 v19, v6  }
0x48: {  	v29 =	vld [tilespmem:s23+$0xFFFFFFF0];
	v21 =	vsub.f32 v21, v6;
	v25 =	vsub.f32 v25, v5  }
0x49: {  	v22 =	vimm.f32 $+Inf;
	s26 =	simm.s32 $0x2C0;
	v30 =	vld [tilespmem:s23+$0xFFFFFF60];
	v24 =	vsub.f32 v24, v7;
	v26 =	vsub.f32 v26, v7  }
0x4a: {  	v9 =	vimm.s32 $0xFFFFFFFF;
	v36 =	vld [tilespmem:s26+$0x70];
	v27 =	vsub.f32 v27, v5;
	v15 =	vsub.f32 v15, v6  }
0x4b: {  	v44 =	vld [tilespmem:s26+$0xFFFFFFD0];
	v28 =	vsub.f32 v28, v7;
	v8 =	vmul.f32 v8, v8;
	v10 =	vmul.f32 v10, v10  }
0x4c: {  	v42 =	vld [tilespmem:s26+$0x0];
	v23 =	vsub.f32 v23, v5;
	v16 =	vmul.f32 v16, v16;
	v14 =	vmul.f32 v14, v14  }
0x4d: {  	v47 =	vld [tilespmem:s26+$0xFFFFFF90];
	v29 =	vsub.f32 v29, v5;
	v11 =	vmul.f32 v11, v11;
	v12 =	vmul.f32 v12, v12  }
0x4e: {  	v30 =	vsub.f32 v30, v7;
	v13 =	vmul.f32 v13, v13;
	v19 =	vmul.f32 v19, v19  }
0x4f: {  	v31 =	vld [tilespmem:s23+$0xFFFFFF80];
	v36 =	vsub.f32 v36, v6;
	v25 =	vmul.f32 v25, v25;
	v18 =	vmul.f32 v18, v18  }
0x50: {  	v56 =	vsub.f32 v44, v5;
	v17 =	vmul.f32 v17, v17;
	v26 =	vmul.f32 v26, v26  }
0x51: {  	v32 =	vld [tilespmem:s23+$0x60];
	v42 =	vsub.f32 v42, v5;
	v15 =	vmul.f32 v15, v15;
	v24 =	vmul.f32 v24, v24  }
0x52: {  	v59 =	vsub.f32 v47, v7;
	v27 =	vmul.f32 v27, v27;
	v20 =	vmul.f32 v20, v20  }
0x53: {  	v23 =	vmul.f32 v23, v23;
	v14 =	vadd.f32 v14, v16;
	v8 =	vadd.f32 v8, v26  }
0x54: {  	v48 =	vld [tilespmem:s26+$0x90];
	v26 =	vmul.f32 v28, v28;
	v28 =	vmul.f32 v29, v29;
	v29 =	vsub.f32 v31, v7  }
0x55: {  	v21 =	vmul.f32 v21, v21;
	v24 =	vadd.f32 v27, v24;
	v11 =	vadd.f32 v11, v12  }
0x56: {  	v36 =	vmul.f32 v36, v36;
	v16 =	vld [tilespmem:s23+$0xFFFFFF90];
	v8 =	vadd.f32 v17, v8;
	v17 =	vsub.f32 v32, v6  }
0x57: {  	s15 =	simm.s32 $0x1;
	v27 =	vmul.f32 v29, v29;
	v26 =	vadd.f32 v28, v26;
	v24 =	vadd.f32 v20, v24  }
0x58: {  	s15 =	simm.s32 @!p1 $0x0;
	s16 =	simm.s32 $0x1;
	v20 =	vmul.f32 v30, v30;
	v13 =	vadd.f32 v13, v14;
	v11 =	vadd.f32 v10, v11  }
0x59: {  	s15 =	sshll.u32 s15, $0xB;
	s16 =	simm.s32 @!p0 $0x0;
	v42 =	vmul.f32 v42, v42;
	v31 =	vld [tilespmem:s26+$0x20];
	v32 =	vsub.f32 v48, v6;
	v14 =	vadd.f32 v23, v27  }
0x5a: {  	s24 =	sor.u32 $0xA040, s15;
	s17 =	sshll.u32 s16, $0xB;
	v28 =	vld [tilespmem:s26+$0xA0];
	v20 =	vadd.f32 v25, v20;
	v17 =	vmul.f32 v17, v17;
	v19 =	vadd.f32 v19, v26  }
0x5b: {  	s25 =	sor.u32 $0xA040, s17;
	[tilespmem:s24+$0xFFFFFFC0] =	vst v8;
	v25 =	vmax.f32 v22, v8;
	v12 =	vmin.f32 v22, v8;
	v16 =	vsub.f32 v16, v7  }
0x5c: {  	[tilespmem:s24+$0xFFFFFFD0] =	vst v24;
	v32 =	vmul.f32 v32, v32;
	v23 =	vld [tilespmem:s25+$0xFFFFFFC0];
	v22 =	vmin.f32 v22, v25;
	v17 =	vadd.f32 v17, v20  }
0x5d: {  	[tilespmem:s24+$0x20] =	vst v13;
	v20 =	vmin.f32 v12, v24;
	v12 =	vmax.f32 v12, v24;
	v16 =	vmul.f32 v16, v16  }
0x5e: {  	v31 =	vsub.f32 v31, v5;
	v21 =	vadd.f32 v21, v14;
	[tilespmem:s24+$0xFFFFFFF0] =	vst v19;
	v24 =	vld [tilespmem:s25+$0x20];
	v12 =	vmin.f32 v22, v12  }
0x5f: {  	s18 =	simm.s32 $0x0;
	v14 =	vld [tilespmem:s25+$0xFFFFFFF0];
	v28 =	vsub.f32 v28, v6;
	v25 =	vmax.f32 v20, v17;
	v10 =	vadd.f32 v18, v16  }
0x60: {  	v16 =	vmin.f32 v20, v17;
	v12 =	vmin.f32 v12, v25;
	v25 =	vor.u32 s18, v1  }
0x61: {  	[tilespmem:s24+$0x0] =	vst v21;
	v28 =	vmul.f32 v28, v28;
	vm5 =	vle.f32 v23, v4;
	v18 =	vmin.f32 v16, v19  }
0x62: {  	[tilespmem:s24+$0xFFFFFFE0] =	vst v17;
	v8 =	vld [tilespmem:s25+$0x0];
	v16 =	vmax.f32 v16, v19;
	v17 =	vsel vm5, $0x1, v0;
	v26 =	vadd.f32 v15, v10  }
0x63: {  	v20 =	vld [tilespmem:s25+$0xFFFFFFE0];
	v12 =	vmin.f32 v12, v16;
	vm0 =	vle.f32 v24, v4;
	(xrf0) =	vadd.scan.msk.s32 $0xffff, v17;
	v17 =	vmax.f32 v18, v21  }
0x64: {  	v15 =	vld [tilespmem:s25+$0xFFFFFFD0];
	v18 =	vmin.f32 v18, v21;
	v21 =	vmpcnt.ones.xlane vm5;
	vm4 =	vle.f32 v14, v4;
	[tilespmem:s24+$0x10] =	vst v26  }
0x65: {  	v12 =	vmin.f32 v12, v17;
	v16 =	vmax.f32 v18, v26;
	v17 =	vmin.f32 v18, v26;
	v22 =	vld [tilespmem:s25+$0x10]  }
0x66: {  	v12 =	vmin.f32 v12, v16;
	v16 =	vmax.f32 v17, v13;
	v13 =	vmin.f32 v17, v13;
	v17 =	vld [tilespmem:s26+$0xFFFFFFC0]  }
0x67: {  	[tilespmem:s24+$0x30] =	vst v11;
	v33 =	vsel vm0, $0x1, v0;
	v18 =	vmin.f32 v13, v11;
	v11 =	vmax.f32 v13, v11;
	v13 =	vld [tilespmem:s26+$0xB0]  }
0x68: {  	v43 =	vmpcnt.ones.xlane vm0;
	v50 =	vmpcnt.ones.xlane vm4;
	vm3 =	vle.f32 v8, v4  }
0x69: {  	v10 =	vld [tilespmem:s25+$0x30];
	vm8 =	vle.f32 v20, v4;
	v21 =	vadd.s32 v9, v21;
	v12 =	vmin.f32 v12, v16;
	v16, _, _ =	vpop (xrf0)  }
0x6a: {  	v26 =	vld [tilespmem:s26+$0xFFFFFFB0];
	v19 =	vmin.f32 v12, v11;
	v12 =	vadd.s32 v9, v16;
	v16 =	vsel vm4, $0x1, v0  }
0x6b: {  	v29 =	vsel vm3, $0x1, v0;
	v30 =	vmpcnt.ones.xlane vm3;
	v11 =	vld [tilespmem:s26+$0x30];
	v17 =	vsub.f32 v17, v5;
	(xrf0) =	vadd.scan.msk.s32 $0xffff, v16  }
0x6c: {  	vm2 =	vle.f32 v15, v4;
	vm1 =	vle.f32 v22, v4;
	v9 =	vld [tilespmem:s26+$0x40];
	v13 =	vsub.f32 v13, v6;
	(xrf0) =	vadd.scan.msk.s32 $0xffff, v29  }
0x6d: {  	v35 =	vmpcnt.ones.xlane vm2;
	v16 =	vsel vm1, $0x1, v0;
	v34 =	vmul.f32 v17, v17;
	(xrf0) =	vadd.scan.msk.s32 $0xffff, v33  }
0x6e: {  	v27 =	vsel vm8, $0x1, v0;
	v17 =	vld [tilespmem:s26+$0xFFFFFFA0];
	v49 =	vmul.f32 v13, v13;
	v13 =	vmpcnt.ones.xlane vm8;
	(xrf0) =	vadd.scan.msk.s32 $0xffff, v16  }
0x6f: {  	v53 =	vld [tilespmem:s26+$0x60];
	vm9 =	vle.f32 v10, v4;
	v26 =	vsub.f32 v26, v7;
	(xrf0) =	vadd.scan.msk.s32 $0xffff, v27;
	v27 =	vadd.s32 v21, v35  }
0x70: {  	v40 =	vsel vm9, $0x1, v0;
	v11 =	vsub.f32 v11, v5;
	v16 =	vld [tilespmem:s26+$0x10];
	[tilespmem:v12+s8+$0x0] =	vst.idx.msk vm5, v23;
	v39 =	vadd.s32 v27, v13  }
0x71: {  	v57 =	vld [tilespmem:s26+$0xFFFFFF60];
	v41 =	vsub.f32 v9, v6;
	[tilespmem:v12+s9+$0x0] =	vst.idx.msk vm5, v25;
	v12 =	vsel vm2, $0x1, v0;
	v38, _, _ =	vpop (xrf0);
	v9 =	vadd.s32 v39, v50  }
0x72: {  	v29 =	vmpcnt.ones.xlane vm1;
	v37 =	vmul.f32 v11, v11;
	v11 =	vld [tilespmem:s26+$0x50];
	v13, _, _ =	vpop (xrf0);
	v30 =	vadd.s32 v9, v30  }
0x73: {  	vm4 =	vmmov vm4;
	v26 =	vmul.f32 v26, v26;
	v25 =	vld [tilespmem:s26+$0x80];
	v17 =	vsub.f32 v17, v7;
	(xrf0) =	vadd.scan.msk.s32 $0xffff, v12;
	v51, _, _ =	vpop (xrf0)  }
0x74: {  	v23 =	vmpcnt.ones.xlane vm9;
	v9 =	vadd.s32 v9, v13;
	v13 =	vadd.s32 v30, v29;
	v29 =	vld [tilespmem:s26+$0xFFFFFFE0];
	v12, _, _ =	vpop (xrf0)  }
0x75: {  	(xrf0) =	vadd.scan.msk.s32 $0xffff, v40;
	v45 =	vsub.f32 v16, v5;
	v16 =	vmul.f32 v17, v17;
	v12 =	vadd.s32 v30, v12;
	v30, _, _ =	vpop (xrf0)  }
0x76: {  	v52 =	vld [tilespmem:s26+$0xFFFFFF50];
	v35 =	vsub.f32 v53, v6;
	v17 =	vmul.f32 v31, v31;
	v27 =	vadd.s32 v27, v30  }
0x77: {  	v55 =	vld [tilespmem:s26+$0xFFFFFFF0];
	v41 =	vmul.f32 v41, v41;
	v40 =	vsub.f32 v57, v7;
	v31 =	vsub.f32 v11, v6  }
0x78: {  	v46 =	vld [tilespmem:s26+$0xFFFFFF40];
	v11 =	vadd.s32 v13, v51;
	v54 =	vadd.f32 v17, v16;
	v30 =	vadd.s32 v13, v43  }
0x79: {  	v25 =	vsub.f32 v25, v6;
	v13 =	vadd.s32 v30, v23;
	v16, _, _ =	vpop (xrf0);
	v23 =	vld [tilespmem:s26+$0xFFFFFF70];
	v29 =	vsub.f32 v29, v5  }
0x7a: {  	v58 =	vmul.f32 v45, v45;
	v31 =	vmul.f32 v31, v31;
	v17 =	vadd.s32 v21, v16  }
0x7b: {  	v21, _, _ =	vpop (xrf0);
	v16 =	vadd.s32 v39, v38;
	[tilespmem:v27+s8+$0x0] =	vst.idx.msk vm8, v20;
	v20 =	vmul.f32 v29, v29;
	v29 =	vld [tilespmem:s26+$0xFFFFFF80]  }
0x7c: {  	s29 =	simm.s32 $0x20;
	v25 =	vmul.f32 v25, v25;
	v38 =	vsub.f32 v55, v5;
	v30 =	vadd.s32 v30, v21  }
0x7d: {  	v60 =	vor.u32 s29, v1;
	v21 =	vsub.f32 v52, v7;
	[tilespmem:v12+s8+$0x0] =	vst.idx.msk vm1, v22;
	v22 =	vsub.f32 v46, v7  }
0x7e: {  	v39 =	vmul.f32 v56, v56;
	v38 =	vmul.f32 v38, v38;
	v23 =	vsub.f32 v23, v7  }
0x7f: {  	v21 =	vmul.f32 v21, v21;
	v22 =	vmul.f32 v22, v22;
	[tilespmem:v27+s9+$0x0] =	vst.idx.msk vm8, v60  }
0x80: {  	[tilespmem:v16+s8+$0x0] =	vst.idx.msk vm4, v14;
	v23 =	vmul.f32 v23, v23;
	v29 =	vsub.f32 v29, v7  }
0x81: {  	s30 =	sadd.s32 $0x80, s24;
	s24 =	simm.s32 $0x70;
	v21 =	vadd.f32 v39, v21;
	[tilespmem:v30+s8+$0x0] =	vst.idx.msk vm9, v10;
	v10 =	vadd.f32 v34, v22  }
0x82: {  	v27 =	vor.u32 s24, v1;
	[tilespmem:v17+s8+$0x0] =	vst.idx.msk vm2, v15;
	v23 =	vadd.f32 v38, v23;
	v22 =	vmul.f32 v29, v29  }
0x83: {  	v10 =	vadd.f32 v41, v10;
	v29 =	vadd.f32 v31, v21;
	v21 =	vmul.f32 v40, v40  }
0x84: {  	vm3 =	vmmov vm3;
	v28 =	vadd.f32 v28, v54;
	[tilespmem:v30+s9+$0x0] =	vst.idx.msk vm9, v27;
	v22 =	vadd.f32 v42, v22  }
0x85: {  	s20 =	sadd.s32 $0x80, s25;
	v31 =	vmul.f32 v35, v35;
	v61 =	vadd.f32 v36, v23;
	[tilespmem:s30+$0xFFFFFFC0] =	vst v10;
	v21 =	vadd.f32 v20, v21  }
0x86: {  	v23 =	vmax.f32 v18, v10;
	v18 =	vmin.f32 v18, v10;
	v20 =	vld [tilespmem:s20+$0xFFFFFFC0];
	v22 =	vadd.f32 v25, v22  }
0x87: {  	v19 =	vmin.f32 v19, v23;
	v25 =	vadd.f32 v37, v26;
	v26 =	vadd.f32 v31, v21  }
0x88: {  	s26 =	simm.s32 $0x10;
	[tilespmem:s30+$0xFFFFFFF0] =	vst v61;
	v31 =	vmul.f32 v59, v59;
	v21 =	vmin.f32 v18, v29;
	v18 =	vmax.f32 v18, v29  }
0x89: {  	v30 =	vor.u32 s26, v1;
	[tilespmem:s30+$0xFFFFFFD0] =	vst v29;
	v10 =	vld [tilespmem:s20+$0xFFFFFFF0];
	v18 =	vmin.f32 v19, v18;
	v23 =	vadd.f32 v49, v25  }
0x8a: {  	v25 =	vmax.f32 v21, v26;
	v62 =	vmin.f32 v21, v26;
	[tilespmem:s30+$0xFFFFFFE0] =	vst v26;
	v26 =	vadd.f32 v58, v31  }
0x8b: {  	[tilespmem:s30+$0x0] =	vst v22;
	v31 =	vmin.f32 v62, v61;
	v33 =	vmax.f32 v62, v61;
	vm7 =	vle.f32 v20, v4  }
0x8c: {  	v21 =	vld [tilespmem:s20+$0x0];
	v18 =	vmin.f32 v18, v25;
	[tilespmem:s30+$0x30] =	vst v23;
	v29 =	vadd.f32 v32, v26;
	v25 =	vsel vm7, $0x1, v0  }
0x8d: {  	s21 =	simm.s32 $0x30;
	s22 =	simm.s32 $0x8;
	v19 =	vld [tilespmem:s20+$0xFFFFFFE0];
	v63 =	vmax.f32 v31, v22;
	v22 =	vmin.f32 v31, v22;
	v14 =	vmin.f32 v18, v33;
	(xrf0) =	vadd.scan.msk.s32 $0xffff, v25  }
0x8e: {  	s19 =	simm.s32 $0x80;
	s28 =	simm.s32 $0x50;
	s31 =	sshll.u32 s12, $0xB;
	[tilespmem:s30+$0x20] =	vst v28;
	vm6 =	vle.f32 v10, v4;
	v15 =	vmin.f32 v14, v63;
	v18 =	vld [tilespmem:s20+$0x30];
	v25 =	vmax.f32 v22, v29  }
0x8f: {  	s15 =	sadd.s32 $0x1, s12;
	s16 =	sand.u32 $0x800, s31;
	s25 =	simm.s32 $0x60;
	v26 =	vmpcnt.ones.xlane vm7;
	v14 =	vld [tilespmem:s20+$0xFFFFFFD0];
	[tilespmem:s30+$0x10] =	vst v29;
	v15 =	vmin.f32 v15, v25;
	v25 =	vmin.f32 v22, v29  }
0x90: {  	s17 =	simm.s32 $0xB0;
	s23 =	simm.s32 $0xF0;
	s18 =	simm.s32 $0xF0;
	[tilespmem:v11+s8+$0x0] =	vst.idx.msk vm0, v24;
	v22 =	vld [tilespmem:s20+$0x10];
	v29 =	vor.u32 s25, v1;
	v31 =	vmax.f32 v25, v28;
	v28 =	vmin.f32 v25, v28  }
0x91: {  	s24 =	simm.s32 $0x4C0;
	s26 =	simm.s32 $0x40;
	s25 =	sadd.s32 $0x80, s30;
	vm5 =	vle.f32 v21, v4;
	v27 =	vmin.f32 v15, v31;
	v15 =	vld [tilespmem:s20+$0x20];
	v25 =	vmin.f32 v28, v23  }
.LBB2_3:
0x92: {  	v24 =	vld [tilespmem:s24+$0xFFFFFFC0];
	s22 =	sadd.s32 $0x8, s22;
	v23 =	vmax.f32 v28, v23;
	s23 =	sadd.s32 $0x80, s23;
	s20 =	sadd.s32 $0x80, s20;
	[tilespmem:v17+s9+$0x0] =	vst.idx.msk vm2, v30;
	v17 =	vor.u32 s26, v1;
	v28 =	vor.u32 s28, v1  }
0x93: {  	v31 =	vor.u32 s19, v1;
	v32 =	vor.u32 s21, v1;
	s28 =	sadd.s32 $0xFFFFFFC0, s23;
	v30 =	vld [tilespmem:s24+$0xB0];
	p2 =	slt.u32 s22, $0x78;
	s19 =	sadd.s32 $0xFFFFFF90, s23;
	v23 =	vmin.f32 v27, v23;
	v27, _, _ =	vpop (xrf0);
	[tilespmem:v9+s8+$0x0] =	vst.idx.msk vm3, v8  }
0x94: {  	vm8 =	vle.f32 v19, v4;
	v34 =	vsel vm6, $0x1, v0;
	s26 =	smov.u32 s18;
	s21 =	smov.u32 s17;
	s18 =	smov.u32 s23;
	v33 =	vld [tilespmem:s24+$0x30];
	v27 =	vadd.s32 v13, v27;
	[tilespmem:v16+s9+$0x0] =	vst.idx.msk vm4, v32  }
0x95: {  	vm2 =	vle.f32 v14, v4;
	v32 =	vsel vm8, $0x1, v0;
	s17 =	smov.u32 s28;
	v16 =	vld [tilespmem:s24+$0xFFFFFFB0];
	[tilespmem:v12+s9+$0x0] =	vst.idx.msk vm1, v28;
	vm1 =	vle.f32 v22, v4  }
0x96: {  	v35 =	vmpcnt.ones.xlane vm5;
	v8 =	vmovc v21;
	v28 =	vsel vm5, $0x1, v0;
	v12 =	vld [tilespmem:s24+$0xA0];
	v36 =	vsel vm1, $0x1, v0;
	[tilespmem:v9+s9+$0x0] =	vst.idx.msk vm3, v17  }
0x97: {  	v9 =	vsub.f32 v24, v5;
	v17 =	vld [tilespmem:s24+$0x20];
	(xrf0) =	vadd.scan.msk.s32 $0xffff, v34;
	[tilespmem:v11+s9+$0x0] =	vst.idx.msk vm0, v29;
	vm0 =	vle.f32 v15, v4  }
0x98: {  	v24 =	vmpcnt.ones.xlane vm1;
	v29 =	vld [tilespmem:s24+$0x90];
	v11 =	vsub.f32 v30, v6;
	v21 =	vsel vm0, $0x1, v0;
	(xrf0) =	vadd.scan.msk.s32 $0xffff, v28  }
0x99: {  	v26 =	vadd.s32 v13, v26;
	vm9 =	vle.f32 v18, v4;
	v28 =	vmul.f32 v9, v9;
	v9 =	vld [tilespmem:s24+$0xFFFFFFA0];
	(xrf0) =	vadd.scan.msk.s32 $0xffff, v21  }
0x9a: {  	v30 =	vsub.f32 v33, v5;
	v13 =	vld [tilespmem:s24+$0x40];
	v21 =	vmul.f32 v11, v11;
	v11 =	vmpcnt.ones.xlane vm8;
	(xrf0) =	vadd.scan.msk.s32 $0xffff, v36  }
0x9b: {  	v33 =	vld [tilespmem:s24+$0x10];
	v34 =	vsub.f32 v12, v6;
	v12 =	vsub.f32 v16, v7;
	[tilespmem:v27+s8+$0x0] =	vst.idx.msk vm7, v20;
	v16 =	vmpcnt.ones.xlane vm2  }
0x9c: {  	v36 =	vmpcnt.ones.xlane vm9;
	v30 =	vmul.f32 v30, v30;
	v20 =	vld [tilespmem:s24+$0x70];
	v17 =	vsub.f32 v17, v5;
	(xrf0) =	vadd.scan.msk.s32 $0xffff, v32  }
0x9d: {  	v43 =	vmpcnt.ones.xlane vm6;
	v32 =	vld [tilespmem:s24+$0x50];
	[tilespmem:v27+s9+$0x0] =	vst.idx.msk vm7, v31;
	v27 =	vsel vm2, $0x1, v0;
	v16 =	vadd.s32 v26, v16;
	v37, _, _ =	vpop (xrf0)  }
0x9e: {  	v38 =	vld [tilespmem:s24+$0x80];
	v39 =	vsub.f32 v9, v7;
	v40 =	vadd.s32 v16, v11;
	v9 =	vsel vm9, $0x1, v0;
	(xrf0) =	vadd.scan.msk.s32 $0xffff, v27;
	v11, _, _ =	vpop (xrf0)  }
0x9f: {  	v27 =	vmpcnt.ones.xlane vm0;
	v41 =	vsub.f32 v13, v6;
	v42 =	vld [tilespmem:s24+$0x0];
	v13 =	vadd.s32 v40, v43;
	v31, _, _ =	vpop (xrf0);
	(xrf0) =	vadd.scan.msk.s32 $0xffff, v9  }
0xa0: {  	v44 =	vmul.f32 v12, v12;
	v43 =	vld [tilespmem:s24+$0xFFFFFF50];
	v9 =	vadd.s32 v13, v11;
	v46 =	vadd.s32 v13, v35;
	v12, _, _ =	vpop (xrf0)  }
0xa1: {  	v33 =	vsub.f32 v33, v5;
	v35 =	vld [tilespmem:s24+$0xFFFFFFD0];
	v12 =	vadd.s32 v46, v12;
	v13 =	vadd.s32 v46, v24  }
0xa2: {  	v47 =	vmul.f32 v17, v17;
	v39 =	vmul.f32 v39, v39;
	v32 =	vsub.f32 v32, v6;
	v45 =	vld [tilespmem:s24+$0xFFFFFFE0];
	v11, _, _ =	vpop (xrf0)  }
0xa3: {  	v27 =	vadd.s32 v13, v27;
	v46 =	vld [tilespmem:s24+$0xFFFFFF40];
	v24 =	vadd.s32 v16, v11;
	v11 =	vadd.s32 v13, v31  }
0xa4: {  	v16 =	vsub.f32 v20, v6;
	v20 =	vadd.f32 v47, v39;
	v13 =	vadd.s32 v27, v36;
	v31 =	vld [tilespmem:s24+$0x60];
	v17, _, _ =	vpop (xrf0)  }
0xa5: {  	v34 =	vmul.f32 v34, v34;
	v38 =	vsub.f32 v38, v6;
	v36 =	vld [tilespmem:s24+$0xFFFFFF70];
	v17 =	vadd.s32 v26, v17;
	v26, _, _ =	vpop (xrf0)  }
0xa6: {  	v39 =	vmul.f32 v16, v16;
	v16 =	vadd.s32 v40, v37;
	v47 =	vld [tilespmem:s24+$0xFFFFFF90];
	v27 =	vadd.s32 v27, v26  }
0xa7: {  	vm4 =	vmmov vm6;
	v26 =	vsub.f32 v43, v7;
	v37 =	vsub.f32 v45, v5;
	v40 =	vld [tilespmem:s24+$0xFFFFFFF0];
	[tilespmem:v12+s8+$0x0] =	vst.idx.msk vm1, v22  }
0xa8: {  	vm3 =	vmmov vm5;
	v35 =	vsub.f32 v35, v5;
	v22 =	vsub.f32 v46, v7;
	v43 =	vld [tilespmem:s24+$0xFFFFFF60];
	[tilespmem:v24+s8+$0x0] =	vst.idx.msk vm8, v19  }
0xa9: {  	v29 =	vsub.f32 v29, v6;
	v33 =	vmul.f32 v33, v33;
	v19 =	vmul.f32 v37, v37;
	v37 =	vld [tilespmem:s24+$0xFFFFFF80]  }
0xaa: {  	v41 =	vmul.f32 v41, v41;
	v42 =	vsub.f32 v42, v5;
	v36 =	vsub.f32 v36, v7  }
0xab: {  	v29 =	vmul.f32 v29, v29;
	v22 =	vmul.f32 v22, v22;
	v45 =	vsub.f32 v47, v7  }
0xac: {  	v26 =	vmul.f32 v26, v26;
	v35 =	vmul.f32 v35, v35;
	v40 =	vsub.f32 v40, v5  }
0xad: {  	v42 =	vmul.f32 v42, v42;
	v31 =	vsub.f32 v31, v6;
	v43 =	vsub.f32 v43, v7  }
0xae: {  	s28 =	sadd.s32 $0xFFFFFFB0, s26;
	v36 =	vmul.f32 v36, v36;
	v40 =	vmul.f32 v40, v40;
	v37 =	vsub.f32 v37, v7  }
0xaf: {  	v32 =	vmul.f32 v32, v32;
	v26 =	vadd.f32 v35, v26;
	v35 =	vor.u32 s28, v1;
	[tilespmem:v27+s8+$0x0] =	vst.idx.msk vm9, v18  }
0xb0: {  	v18 =	vadd.f32 v28, v22;
	v22 =	vadd.f32 v40, v36;
	v28 =	vmul.f32 v37, v37  }
0xb1: {  	v34 =	vadd.f32 v34, v20;
	v26 =	vadd.f32 v32, v26;
	v32 =	vmul.f32 v43, v43  }
0xb2: {  	v18 =	vadd.f32 v41, v18;
	v20 =	vadd.f32 v42, v28;
	v28 =	vmul.f32 v38, v38  }
0xb3: {  	v31 =	vmul.f32 v31, v31;
	v19 =	vadd.f32 v19, v32;
	v22 =	vadd.f32 v39, v22;
	[tilespmem:s25+$0x20] =	vst v34  }
0xb4: {  	v30 =	vadd.f32 v30, v44;
	v32 =	vmax.f32 v25, v18;
	[tilespmem:s25+$0xFFFFFFC0] =	vst v18;
	v28 =	vadd.f32 v28, v20  }
0xb5: {  	v19 =	vadd.f32 v31, v19;
	v18 =	vmin.f32 v25, v18;
	v25 =	vmul.f32 v45, v45;
	v20 =	vld [tilespmem:s20+$0xFFFFFFC0];
	[tilespmem:s25+$0xFFFFFFF0] =	vst v22  }
0xb6: {  	v31 =	vmin.f32 v23, v32;
	v23 =	vadd.f32 v21, v30;
	v32 =	vmin.f32 v18, v26;
	v36 =	vld [tilespmem:s20+$0xFFFFFFF0];
	[tilespmem:s25+$0x0] =	vst v28  }
0xb7: {  	v30 =	vmax.f32 v32, v19;
	v25 =	vadd.f32 v33, v25;
	[tilespmem:s25+$0xFFFFFFE0] =	vst v19;
	v19 =	vmin.f32 v32, v19;
	v21 =	vld [tilespmem:s20+$0x0]  }
0xb8: {  	v18 =	vmax.f32 v18, v26;
	v32 =	vmax.f32 v19, v22;
	v19 =	vmin.f32 v19, v22;
	[tilespmem:s25+$0x30] =	vst v23  }
0xb9: {  	v18 =	vmin.f32 v31, v18;
	v25 =	vadd.f32 v29, v25;
	[tilespmem:s25+$0xFFFFFFD0] =	vst v26;
	v22 =	vmax.f32 v19, v28  }
0xba: {  	v18 =	vmin.f32 v18, v30;
	v28 =	vmin.f32 v19, v28;
	vm7 =	vle.f32 v20, v4  }
0xbb: {  	v29 =	vsel vm7, $0x1, v0;
	v26 =	vmpcnt.ones.xlane vm7;
	vm6 =	vle.f32 v36, v4;
	[tilespmem:v16+s8+$0x0] =	vst.idx.msk vm4, v10;
	v10 =	vmovc v36  }
.Ltmp4:
0xbc: {  	v18 =	vmin.f32 v18, v32;
	v19 =	vld [tilespmem:s20+$0xFFFFFFE0];
	vm5 =	vle.f32 v21, v4;
	(xrf0) =	vadd.scan.msk.s32 $0xffff, v29;
	[tilespmem:v17+s8+$0x0] =	vst.idx.msk vm2, v14;
	(pc) =	sbr.rel @p2 .LBB2_3-.Ltmp4, $4  }
0xbd: {  	v22 =	vmin.f32 v18, v22;
	v29 =	vmax.f32 v28, v25;
	v18 =	vld [tilespmem:s20+$0x30];
	[tilespmem:v24+s9+$0x0] =	vst.idx.msk vm8, v35  }
0xbe: {  	s29 =	sadd.s32 $0xFFFFFFF0, s26;
	v30 =	vor.u32 s26, v1;
	v24 =	vmin.f32 v22, v29;
	v14 =	vld [tilespmem:s20+$0xFFFFFFD0];
	[tilespmem:s25+$0x10] =	vst v25;
	v25 =	vmin.f32 v28, v25  }
0xbf: {  	s30 =	sadd.s32 $0xFFFFFFA0, s26;
	s28 =	sadd.s32 $0xFFFFFFE0, s26;
	v29 =	vor.u32 s29, v1;
	v22 =	vld [tilespmem:s20+$0x10];
	v31 =	vmax.f32 v25, v34;
	v28 =	vmin.f32 v25, v34;
	[tilespmem:v27+s9+$0x0] =	vst.idx.msk vm9, v30  }
0xc0: {  	s24 =	sadd.s32 $0x200, s24;
	s26 =	sadd.s32 $0xFFFFFFD0, s26;
	s25 =	sadd.s32 $0x80, s25;
	v30 =	vor.u32 s30, v1;
	v27 =	vmin.f32 v24, v31;
	v25 =	vmin.f32 v28, v23;
	[tilespmem:v11+s8+$0x0] =	vst.idx.msk vm0, v15;
	v15 =	vld [tilespmem:s20+$0x20]  }
0xc1: {  	_ =	sdelay $0x2  }
0xc2: {  	v5 =	vsel vm6, $0x1, v0  }
0xc3: {  	v6 =	vsel vm5, $0x1, v0;
	(xrf0) =	vadd.scan.msk.s32 $0xffff, v5;
	vm8 =	vle.f32 v15, v4  }
0xc4: {  	vm11 =	vle.f32 v19, v4;
	(xrf0) =	vadd.scan.msk.s32 $0xffff, v6;
	vm9 =	vle.f32 v22, v4;
	v5 =	vsel vm8, $0x1, v0  }
0xc5: {  	v6 =	vsel vm9, $0x1, v0;
	(xrf0) =	vadd.scan.msk.s32 $0xffff, v5;
	v5 =	vsel vm11, $0x1, v0  }
0xc6: {  	v31 =	vmpcnt.ones.xlane vm6;
	vm12 =	vle.f32 v18, v4;
	vm10 =	vle.f32 v14, v4;
	(xrf0) =	vadd.scan.msk.s32 $0xffff, v6  }
0xc7: {  	v7 =	vsel vm12, $0x1, v0;
	v4 =	vsel vm10, $0x1, v0;
	v6 =	vmpcnt.ones.xlane vm10;
	(xrf0) =	vadd.scan.msk.s32 $0xffff, v5  }
0xc8: {  	[tilespmem:v17+s9+$0x0] =	vst.idx.msk vm2, v30;
	v24 =	vmpcnt.ones.xlane vm11;
	v5, _, _ =	vpop (xrf0);
	(xrf0) =	vadd.scan.msk.s32 $0xffff, v4;
	v4 =	vadd.s32 v13, v26  }
0xc9: {  	v48 =	vor.u32 s21, v1;
	[tilespmem:v9+s8+$0x0] =	vst.idx.msk vm3, v8;
	v25, _, _ =	vpop (xrf0);
	v6 =	vadd.s32 v4, v6;
	v5 =	vadd.s32 v13, v5  }
0xca: {  	v49 =	vmpcnt.ones.xlane vm5;
	[tilespmem:v11+s9+$0x0] =	vst.idx.msk vm0, v29;
	(xrf0) =	vadd.scan.msk.s32 $0xffff, v7;
	v7, _, _ =	vpop (xrf0);
	v24 =	vadd.s32 v6, v24  }
0xcb: {  	v47 =	vor.u32 s28, v1;
	[tilespmem:v16+s9+$0x0] =	vst.idx.msk vm4, v48;
	v32, _, _ =	vpop (xrf0);
	v51 =	vadd.s32 v24, v31;
	v58 =	vadd.s32 v24, v25  }
0xcc: {  	v8 =	vor.u32 s26, v1;
	[tilespmem:v12+s9+$0x0] =	vst.idx.msk vm1, v47;
	v52, _, _ =	vpop (xrf0);
	v54 =	vadd.s32 v51, v49;
	v7 =	vadd.s32 v51, v7  }
0xcd: {  	[tilespmem:v9+s9+$0x0] =	vst.idx.msk vm3, v8;
	v50 =	vmpcnt.ones.xlane vm9;
	v55, _, _ =	vpop (xrf0);
	v17 =	vadd.s32 v54, v52  }
0xce: {  	v59 =	vor.u32 s19, v1;
	v53 =	vmpcnt.ones.xlane vm8;
	v56, _, _ =	vpop (xrf0);
	v6 =	vadd.s32 v6, v55;
	[tilespmem:v5+s8+$0x0] =	vst.idx.msk vm7, v20  }
0xcf: {  	v13 =	vadd.s32 v54, v50;
	[tilespmem:v5+s9+$0x0] =	vst.idx.msk vm7, v59;
	v4 =	vadd.s32 v4, v56  }
0xd0: {  	v8 =	vadd.s32 v13, v53;
	v57, _, _ =	vpop (xrf0);
	[tilespmem:v58+s8+$0x0] =	vst.idx.msk vm6, v10  }
0xd1: {  	v9 =	vadd.s32 v8, v57;
	[tilespmem:v7+s8+$0x0] =	vst.idx.msk vm5, v21  }
0xd2: {  	[tilespmem:v17+s8+$0x0] =	vst.idx.msk vm9, v22  }
0xd3: {  	s21 =	sadd.s32 $0xFFFFFFB0, s18;
	v5 =	vadd.s32 v13, v32;
	[tilespmem:v6+s8+$0x0] =	vst.idx.msk vm11, v19  }
0xd4: {  	v60 =	vor.u32 s21, v1;
	[tilespmem:v4+s8+$0x0] =	vst.idx.msk vm10, v14  }
0xd5: {  	v61 =	vmpcnt.ones.xlane vm12;
	[tilespmem:v6+s9+$0x0] =	vst.idx.msk vm11, v60  }
0xd6: {  	v6 =	vor.u32 s18, v1;
	[tilespmem:v9+s8+$0x0] =	vst.idx.msk vm12, v18  }
0xd7: {  	s22 =	sadd.s32 $0xFFFFFFA0, s18;
	[tilespmem:v9+s9+$0x0] =	vst.idx.msk vm12, v6;
	v6 =	vadd.s32 v8, v61  }
0xd8: {  	[tilespmem:v5+s8+$0x0] =	vst.idx.msk vm8, v15;
	v8 =	vor.u32 s22, v1;
	(v2sf) =	vpush v6, $0x0  }
0xd9: {  	s23 =	sadd.s32 $0xFFFFFFE0, s18;
	[tilespmem:v4+s9+$0x0] =	vst.idx.msk vm10, v8;
	v4 =	vor.u32 s17, v1  }
0xda: {  	s24 =	sadd.s32 $0xFFFFFFD0, s18;
	v6 =	vor.u32 s23, v1;
	[tilespmem:v58+s9+$0x0] =	vst.idx.msk vm6, v4  }
0xdb: {  	s25 =	sadd.s32 $0xFFFFFFF0, s18;
	s14 =	sadd.s32 s16, s14;
	v4 =	vor.u32 s24, v1;
	[tilespmem:v17+s9+$0x0] =	vst.idx.msk vm9, v6  }
0xdc: {  	s14 =	sand.u32 $0xFFFFFF80, s14;
	v6 =	vor.u32 s25, v1;
	[tilespmem:v7+s9+$0x0] =	vst.idx.msk vm5, v4  }
0xdd: {  	s13 =	sor.u32 s13, s14;
	[tilespmem:v5+s9+$0x0] =	vst.idx.msk vm8, v6  }
0xde: {  	v4 =	vld [tilespmem:s13+$0xA000];
	_ =	sdelay $0x3  }
0xdf: {  	vm0 =	veq.s32 v3, v1  }
0xe0: {  	v3 =	vsel vm0, $0x7F800000, v4  }
0xe1: {  	[tilespmem:s13+$0xA000] =	vst v3  }
0xe2: {  	v3 =	vld [tilespmem:$0xB000]  }
0xe3: {  	v5 =	vld [tilespmem:$0xB880]  }
0xe4: {  	v6 =	vld [tilespmem:$0xB010];
	s26 =	spop (v2sf)  }
0xe5: {  	v7 =	vld [tilespmem:$0xB890];
	s28 =	sadd.s32 $0x1, s26  }
0xe6: {  	v8 =	vmax.f32 v28, v23;
	v4 =	vmov s28  }
0xe7: {  	v62 =	vor.u32 $0x10, v1;
	v8 =	vmin.f32 v27, v8;
	vm12 =	vgt.s32 v4, v1  }
0xe8: {  	(xrf1) =	vsort.ascd.msk.f32 $0xffff, v8, v1;
	vm13 =	vgt.s32 v4, v62;
	v3 =	vnsel vm12, $0x7F800000, v3  }
0xe9: {  	v6 =	vnsel vm13, $0x7F800000, v6;
	(xrf1) =	vsort.ascd.msk.f32 $0xffff, v3, v5  }
0xea: {  	(xrf1) =	vsort.ascd.msk.f32 $0xffff, v6, v7;
	_ =	sdelay $0xb  }
0xeb: {  	v5 =	vmul.u32 $0xFFFFFFFF, v1;
	v3, _, _ =	vpop (xrf1)  }
0xec: {  	v6, v7, _ =	vpop (xrf1)  }
0xed: {  	v5 =	vadd.s32 $0xF, v5;
	v8, v63, _ =	vpop (xrf1)  }
0xee: {  	v8 =	vperm.xlane v8, v5;
	v9 =	vperm.xlane v63, v5;
	_ =	sdelay $0x1  }
0xef: {  	vm14 =	veq.f32 v6, v8;
	vm1 =	vlt.s32 v7, v9  }
0xf0: {  	vm15 =	vlt.f32 v6, v8;
	vm0 =	vmand vm14, vm1  }
0xf1: {  	vm0 =	vmor vm15, vm0  }
0xf2: {  	v6 =	vsel vm0, v6, v8;
	v7 =	vsel vm0, v7, v9  }
0xf3: {  	(xrf1) =	vsort.ascd.msk.f32 $0xffff, v6, v7;
	_ =	sdelay $0x2  }
0xf4: {  	s29 =	sadd.s32 $0x10, s26;
	s13 =	sand.u32 $0xF, s26  }
0xf5: {  	s30 =	sshra.s32 s29, $0x1F;
	p2 =	slt.s32 s29, $0x1;
	p3 =	sne.s32 s13, $0x0  }
0xf6: {  	s31 =	sshrl.u32 s30, $0x1C;
	p2 =	por !p2, !p3  }
0xf7: {  	s14 =	simm.s32 $0x1;
	s13 =	sadd.s32 s31, s29;
	p2 =	por !p2, !p2  }
0xf8: {  	s13 =	sshra.s32 s13, $0x4;
	s14 =	simm.s32 @!p2 $0x0  }
0xf9: {  	s14 =	ssub.s32 s13, s14  }
0xfa: {  	p3 =	slt.s32 s14, $0x3  }
.Ltmp5:
0xfb: {  	_ = 	snop;
	(pc) =	sbr.rel @p3 .LBB2_12-.Ltmp5, $2  }
0xfc: {  	_ =	sdelay $0x2  }
0xfd: {  	vm4 =	vmmov vm6;
	vm7 =	vmmov vm5;
	v7, v6, _ =	vpop (xrf1)  }
0xfe: {  	s14 =	simm.s32 $0xFFFFFFFF  }
0xff: {  	s14 =	simm.s32 @!p2 $0x0  }
0x100: {  	s13 =	sadd.s32 s14, s13  }
0x101: {  	s14 =	sadd.s32 $0xFFFFFFFE, s13  }
0x102: {  	p4 =	sne.s32 s14, $0x1  }
.Ltmp6:
0x103: {  	_ = 	snop;
	(pc) =	sbr.rel @!p4 .LBB2_6-.Ltmp6, $3  }
0x104: {  	_ =	sdelay $0x1  }
0x105: {  	s17 =	simm.s32 $0xB020;
	s16 =	simm.s32 $0xB8A0;
	p3 =	por $0x0, $0x0  }
0x106: {  	v8 =	vld [tilespmem:s17+$0x0];
	p2 =	por $0x0, $0x0;
	s13 =	simm.s32 $0x20;
	s14 =	sadd.s32 $0xFFFFFFFF, s14  }
0x107: {  	v9 =	vld [tilespmem:s16+$0x0];
	_ =	sdelay $0x1  }
0x108: {  	v10 =	vor.u32 s13, v1  }
0x109: {  	vm0 =	vlt.s32 v10, v4  }
0x10a: {  	v8 =	vnsel vm0, $0x7F800000, v8  }
0x10b: {  	(xrf1) =	vsort.ascd.msk.f32 $0xffff, v8, v9;
	_ =	sdelay $0x7  }
0x10c: {  	p4 =	sne.s32 s14, $0x1  }
.Ltmp7:
0x10d: {  	_ = 	snop;
	(pc) =	sbr.rel @!p4 .LBB2_8-.Ltmp7, $3  }
0x10e: {  	_ =	sdelay $0x1  }
0x10f: {  	s31 =	simm.s32 $0xB030  }
0x110: {  	s18 =	sadd.s32 $0xFFFFFFFF, s14;
	s16 =	simm.s32 $0xB8B0;
	p2 =	por $0x1, $0x1;
	v8 =	vld [tilespmem:s31+$0x0]  }
0x111: {  	v9, v10, _ =	vpop (xrf1)  }
0x112: {  	v11 =	vld [tilespmem:s16+$0x0];
	v9 =	vperm.xlane v9, v5;
	v10 =	vperm.xlane v10, v5  }
0x113: {  	s14 =	simm.s32 $0x30  }
0x114: {  	v12 =	vor.u32 s14, v1;
	vm0 =	veq.f32 v7, v9;
	vm1 =	vlt.s32 v6, v10  }
0x115: {  	vm2 =	vlt.s32 v12, v4;
	vm15 =	vlt.f32 v7, v9;
	vm0 =	vmand vm0, vm1  }
0x116: {  	v8 =	vnsel vm2, $0x7F800000, v8;
	vm0 =	vmor vm15, vm0  }
0x117: {  	(xrf1) =	vsort.ascd.msk.f32 $0xffff, v8, v11;
	v8 =	vsel vm0, v7, v9;
	v9 =	vsel vm0, v6, v10  }
0x118: {  	(xrf1) =	vsort.ascd.msk.f32 $0xffff, v8, v9;
	_ =	sdelay $0x6  }
0x119: {  	p4 =	sne.s32 s18, $0x1  }
.Ltmp8:
0x11a: {  	_ = 	snop;
	(pc) =	sbr.rel @!p4 .LBB2_11-.Ltmp8, $3  }
0x11b: {  	_ =	sdelay $0x1  }
0x11c: {  	s17 =	simm.s32 $0xB040  }
0x11d: {  	s18 =	sadd.s32 $0xFFFFFFFF, s18;
	s16 =	simm.s32 $0xB8C0;
	p3 =	por $0x1, $0x1;
	v8 =	vld [tilespmem:s17+$0x0]  }
.LBB2_10:
0x11e: {  	p4 =	sne.s32 s18, $0x1;
	v9 =	vld [tilespmem:s16+$0x0];
	v10, v11, _ =	vpop (xrf1)  }
0x11f: {  	s14 =	sadd.s32 $0x10, s14;
	v10 =	vperm.xlane v10, v5;
	v11 =	vperm.xlane v11, v5  }
0x120: {  	v12 =	vor.u32 s14, v1;
	v13, v14, _ =	vpop (xrf1)  }
0x121: {  	vm0 =	vlt.s32 v12, v4;
	vm1 =	veq.f32 v13, v10;
	vm2 =	vlt.s32 v14, v11  }
0x122: {  	v8 =	vnsel vm0, $0x7F800000, v8;
	vm0 =	vlt.f32 v13, v10;
	vm1 =	vmand vm1, vm2  }
0x123: {  	(xrf1) =	vsort.ascd.msk.f32 $0xffff, v8, v9;
	vm0 =	vmor vm0, vm1  }
0x124: {  	v8 =	vsel vm0, v13, v10;
	v9 =	vsel vm0, v14, v11  }
0x125: {  	(xrf1) =	vsort.ascd.msk.f32 $0xffff, v8, v9;
	_ =	sdelay $0x6  }
.Ltmp9:
0x126: {  	(pc) =	sbr.rel @p4 .LBB2_10-.Ltmp9, $3  }
0x127: {  	_ =	sdelay $0x1  }
0x128: {  	s17 =	sadd.s32 $0x10, s17  }
0x129: {  	s18 =	sadd.s32 $0xFFFFFFFF, s18;
	s16 =	sadd.s32 $0x10, s16;
	v8 =	vld [tilespmem:s17+$0x0]  }
.Ltmp10:
0x12a: {  	_ = 	snop;
	(pc) =	sbr.rel .LBB2_11-.Ltmp10, $1  }
0x12b: {  	_ =	sdelay $0x3  }
.LBB2_8:
.Ltmp11:
0x12c: {  	(pc) =	sbr.rel .LBB2_11-.Ltmp11, $2  }
0x12d: {  	_ =	sdelay $0x2  }
0x12e: {  	s14 =	simm.s32 $0x20  }
.LBB2_14:
0x12f: {  	_ =	sfence.sel $0x180000  }
0x130: {  	[bflag:$0x0] =	sbarrier.arrive $0xFFFF  }
0x131: {  	p0 =	sne.s32 s1, $0x0;
	_ =	strace $0x90000047  }
0x132: {  	s0 =	sadd.s32 @!p0 $0x100000, s0;
	[bflag:$0x2] =	sbarrier.arrive $0xFFFF  }
0x133: {  	[sflag:s0] =	ssyncadd.tile.s32 @!p0 $0x1;
	_ =	shalt  }
.Lfunc_end2:
_tile_overlayer_lowered:
.L_overlay_start_2:
0x134: {  	(tag) =	ssettag $0x2  }
0x135: {  	s0 =	rddreg [dreg:$0x0];
	s2 =	stileid.u32  }
0x136: {  	s1 =	rddreg [dreg:$0x1];
	p0 =	sne.s32 s2, $0x0  }
0x137: {  	s3 =	rddreg [dreg:$0x2];
	[bflag:$0x3] =	sbarrier.arrive $0xFFFF;
	s2 =	simm.s32 @!p0 $0x1C01  }
0x138: {  	[timem:s3], [sflag:s2] =	dma.local @!p0 [hbm:s0], s1  }
0x139: {  	s0 =	simm.s32 @!p0 $0x1  }
0x13a: {  	_ =	swait.ge @!p0 [sflag:s0], s1  }
0x13b: {  	s1 =	ssub.s32 @!p0 $0x0, s1;
	[sflag:s0] =	ssyncset.done @!p0 $0x0  }
0x13c: {  	[sflag:s0] =	ssyncadd.s32 @!p0 s1  }
0x13d: {  	[bflag:$0x3] =	sbarrier.arrive $0xFFFF  }
0x13e: {  	_ =	shalt  }

</sc_bundles>
